<compile_context>
chip_gen: v7x
topology: tpu7x:2x2x1
jax: 0.10.2.dev20260603
libtpu: 0.0.44.dev20260713+nightly
codegen_flags: <defaults>
</compile_context>

<pallas_src>
import functools

import jax
import jax.numpy as jnp
from jax import lax
from jax.experimental import pallas as pl
from jax.experimental.pallas import tpu as pltpu
from jax.experimental.pallas import tpu_sc as plsc

N = 100000
E = 1600000
G = 512
NPAD = 100352
EPAD = 1638400
NPAD2 = 102400
GPAD = 520
BM = 2048
NBLK = NPAD // BM

f32 = jnp.float32


def _sds(shape, dtype=f32):
    return jax.ShapeDtypeStruct(shape, dtype)



def _pre_body(x_ref, wpre_ref, bpre_ref, w1l_ref, w1r_ref, b1_ref,
              p1s_ref, r1_ref):
    h = jnp.maximum(x_ref[...] @ wpre_ref[...] + bpre_ref[...], 0.0)
    p1 = h @ w1l_ref[...]
    p1s_ref[0] = p1[:, :16]
    p1s_ref[1] = p1[:, 16:]
    r1_ref[...] = h @ w1r_ref[...] + b1_ref[...]


def _k_pre(x_pad, wpre, bpre, w1l, w1r, b1):
    return pl.pallas_call(
        _pre_body,
        grid=(NBLK,),
        in_specs=[
            pl.BlockSpec((BM, 5), lambda i: (i, 0)),
            pl.BlockSpec((5, 64), lambda i: (0, 0)),
            pl.BlockSpec((1, 64), lambda i: (0, 0)),
            pl.BlockSpec((64, 32), lambda i: (0, 0)),
            pl.BlockSpec((64, 32), lambda i: (0, 0)),
            pl.BlockSpec((1, 32), lambda i: (0, 0)),
        ],
        out_specs=[
            pl.BlockSpec((2, BM, 16), lambda i: (0, i, 0)),
            pl.BlockSpec((BM, 32), lambda i: (i, 0)),
        ],
        out_shape=[_sds((2, NPAD, 16)), _sds((NPAD, 32))],
    )(x_pad, wpre, bpre, w1l, w1r, b1)


def _mid_body(agg_ref, deg_ref, r1_ref, w2l_ref, w2r_ref, b2_ref,
              p2s_ref, r2_ref, degc_ref):
    a = jnp.concatenate([agg_ref[0], agg_ref[1]], axis=1)
    d = jnp.maximum(deg_ref[0][:, :1] + deg_ref[1][:, :1], 1.0)
    out = a / d + r1_ref[...]
    nrm = jnp.sqrt(jnp.sum(out * out, axis=1, keepdims=True))
    h2 = jnp.maximum(out / jnp.maximum(nrm, 1e-12), 0.0)
    p2 = h2 @ w2l_ref[...]
    p2s_ref[0] = p2[:, :16]
    p2s_ref[1] = p2[:, 16:]
    r2_ref[...] = h2 @ w2r_ref[...] + b2_ref[...]
    degc_ref[...] = d


def _k_mid(agg1, deg, r1, w2l, w2r, b2):
    return pl.pallas_call(
        _mid_body,
        grid=(NBLK,),
        in_specs=[
            pl.BlockSpec((2, BM, 16), lambda i: (0, i, 0)),
            pl.BlockSpec((2, BM, 16), lambda i: (0, i, 0)),
            pl.BlockSpec((BM, 32), lambda i: (i, 0)),
            pl.BlockSpec((32, 32), lambda i: (0, 0)),
            pl.BlockSpec((32, 32), lambda i: (0, 0)),
            pl.BlockSpec((1, 32), lambda i: (0, 0)),
        ],
        out_specs=[
            pl.BlockSpec((2, BM, 16), lambda i: (0, i, 0)),
            pl.BlockSpec((BM, 32), lambda i: (i, 0)),
            pl.BlockSpec((BM, 1), lambda i: (i, 0)),
        ],
        out_shape=[_sds((2, NPAD, 16)), _sds((NPAD, 32)), _sds((NPAD, 1))],
    )(agg1, deg, r1, w2l, w2r, b2)


def _post_body(agg_ref, degc_ref, r2_ref, h3s_ref):
    a = jnp.concatenate([agg_ref[0], agg_ref[1]], axis=1)
    out = a / degc_ref[...] + r2_ref[...]
    nrm = jnp.sqrt(jnp.sum(out * out, axis=1, keepdims=True))
    h3 = jnp.maximum(out / jnp.maximum(nrm, 1e-12), 0.0)
    h3s_ref[0] = h3[:, :16]
    h3s_ref[1] = h3[:, 16:]


def _k_post(agg2, degc, r2):
    return pl.pallas_call(
        _post_body,
        grid=(NBLK,),
        in_specs=[
            pl.BlockSpec((2, BM, 16), lambda i: (0, i, 0)),
            pl.BlockSpec((BM, 1), lambda i: (i, 0)),
            pl.BlockSpec((BM, 32), lambda i: (i, 0)),
        ],
        out_specs=[
            pl.BlockSpec((2, BM, 16), lambda i: (0, i, 0)),
        ],
        out_shape=[_sds((2, NPAD, 16))],
    )(agg2, degc, r2)


def _final_body(p0_ref, p1_ref, g0_ref, g1_ref, wp1_ref, bp1_ref,
                wp2_ref, bp2_ref, wout_ref, bout_ref, out_ref):
    s = jnp.concatenate([p0_ref[...], p1_ref[...]], axis=1)
    g = s / jnp.maximum(g0_ref[...] + g1_ref[...], 1.0)
    y = jnp.maximum(g @ wp1_ref[...] + bp1_ref[...], 0.0)
    y = jnp.maximum(y @ wp2_ref[...] + bp2_ref[...], 0.0)
    out_ref[...] = y @ wout_ref[...] + bout_ref[...]


def _k_final(p0, p1, g0, g1, wp1, bp1, wp2, bp2, wout, bout):
    return pl.pallas_call(
        _final_body,
        out_shape=_sds((G, 1)),
    )(p0, p1, g0, g1, wp1, bp1, wp2, bp2, wout, bout)



_MESH = plsc.VectorSubcoreMesh(core_axis_name="c", subcore_axis_name="s",
                               num_cores=2, num_subcores=16)


EB = 512
ET = EPAD // 32
NT = NPAD // 16


NIT = EPAD // 16 // EB


@functools.partial(
    pl.kernel,
    out_type=_sds((2, NPAD, 16)),
    mesh=_MESH,
    scratch_types=[
        pltpu.VMEM((3, 2, EB), jnp.int32),
        pltpu.VMEM((2, EB, 16), f32),
        pltpu.VMEM_SHARED((NPAD, 16), f32),
        pltpu.SemaphoreType.DMA,
        pltpu.SemaphoreType.DMA,
        pltpu.SemaphoreType.DMA,
    ],
    compiler_params=pltpu.CompilerParams(use_tc_tiling_on_sc=False),
)
def _sc_layer(p1s, edata, z16, out, ed3, rows2, acc, gsem, ssem, isem):
    c = lax.axis_index("c")
    s = lax.axis_index("s")
    row0 = s * NT
    pltpu.sync_copy(z16.at[pl.ds(row0, NT)], acc.at[pl.ds(row0, NT)])
    plsc.subcore_barrier()

    pltpu.sync_copy(edata.at[s * NIT], ed3.at[0])

    def blk(i, carry):
        b2 = i % 2
        b3 = i % 3
        ed = ed3.at[b3]
        rows = rows2.at[b2]

        @pl.when(i >= 2)
        def _():
            pltpu.make_async_copy(rows, acc.at[ed.at[1]], ssem).wait()

        @pl.when(i + 1 < NIT)
        def _():
            pltpu.make_async_copy(edata.at[s * NIT + i + 1],
                                  ed3.at[(i + 1) % 3], isem).start()

        @pl.when(i >= 1)
        def _():
            pltpu.make_async_copy(edata.at[s * NIT + i], ed, isem).wait()

        pltpu.async_copy(p1s.at[c].at[ed.at[0]], rows, gsem).wait()
        pltpu.make_async_copy(rows, acc.at[ed.at[1]], ssem).start(add=True)
        return carry

    lax.fori_loop(0, NIT, blk, 0)
    pltpu.make_async_copy(rows2.at[0], acc.at[ed3.at[0].at[1]], ssem).wait()
    pltpu.make_async_copy(rows2.at[1], acc.at[ed3.at[1].at[1]], ssem).wait()
    plsc.subcore_barrier()
    pltpu.sync_copy(acc.at[pl.ds(row0, NT)], out.at[c, pl.ds(row0, NT)])


@functools.partial(
    pl.kernel,
    out_type=(_sds((2, NPAD, 16)), _sds((2, GPAD, 16))),
    mesh=_MESH,
    scratch_types=[
        pltpu.VMEM((512,), jnp.int32),
        pltpu.VMEM((128,), jnp.int32),
        pltpu.VMEM((512, 16), f32),
        pltpu.VMEM_SHARED((NPAD, 16), f32),
        pltpu.VMEM_SHARED((GPAD, 16), f32),
    ],
    compiler_params=pltpu.CompilerParams(use_tc_tiling_on_sc=False),
)
def _sc_deg(dst1, batch2, ones_h, z16, deg_out, gcnt_out,
            idx_v, gidx_v, ones_v, acc16, gacc):
    c = lax.axis_index("c")
    s = lax.axis_index("s")
    wid = c * 16 + s
    row0 = s * NT
    pltpu.sync_copy(z16.at[pl.ds(row0, NT)], acc16.at[pl.ds(row0, NT)])

    @pl.when(s == 0)
    def _():
        pltpu.sync_copy(z16.at[pl.ds(0, GPAD)], gacc)

    pltpu.sync_copy(ones_h, ones_v)
    plsc.subcore_barrier()

    def blk(i, carry):
        e0 = wid * ET + i * 512
        pltpu.sync_copy(dst1.at[pl.ds(e0, 512)], idx_v)
        pltpu.sync_copy(ones_v, acc16.at[idx_v], add=True)
        return carry

    lax.fori_loop(0, ET // 512, blk, 0)

    def blk2(i, carry):
        b0 = wid * 3200 + i * 128
        pltpu.sync_copy(batch2.at[pl.ds(b0, 128)], gidx_v)
        pltpu.sync_copy(ones_v.at[pl.ds(0, 128)], gacc.at[gidx_v], add=True)
        return carry

    lax.fori_loop(0, 25, blk2, 0)

    plsc.subcore_barrier()
    pltpu.sync_copy(acc16.at[pl.ds(row0, NT)], deg_out.at[c, pl.ds(row0, NT)])

    @pl.when(s == 0)
    def _():
        pltpu.sync_copy(gacc, gcnt_out.at[c])


@functools.partial(
    pl.kernel,
    out_type=_sds((2, GPAD, 16)),
    mesh=_MESH,
    scratch_types=[
        pltpu.VMEM((NT, 16), f32),
        pltpu.VMEM((NT,), jnp.int32),
        pltpu.VMEM_SHARED((GPAD, 16), f32),
    ],
    compiler_params=pltpu.CompilerParams(use_tc_tiling_on_sc=False),
)
def _sc_pool(h3s, batch_n, zp, pool_out, slab, bidx, pacc):
    c = lax.axis_index("c")
    s = lax.axis_index("s")

    @pl.when(s == 0)
    def _():
        pltpu.sync_copy(zp, pacc)

    plsc.subcore_barrier()
    pltpu.sync_copy(h3s.at[c, pl.ds(s * NT, NT)], slab)
    pltpu.sync_copy(batch_n.at[pl.ds(s * NT, NT)], bidx)
    pltpu.sync_copy(slab, pacc.at[bidx], add=True)
    plsc.subcore_barrier()

    @pl.when(s == 0)
    def _():
        pltpu.sync_copy(pacc, pool_out.at[c])



def kernel(x, edge_index, batch, W_pre, b_pre, W1_l, b1, W1_r, W2_l, b2, W2_r,
           W_p1, b_p1, W_p2, b_p2, W_out, b_out):
    src = edge_index[0]
    dst = edge_index[1]
    x_pad = jnp.pad(x, ((0, NPAD - N), (0, 0)))
    src1 = jnp.pad(src, (0, EPAD - E))
    dst1 = jnp.pad(dst, (0, EPAD - E), constant_values=N)
    edata = jnp.stack([src1.reshape(EPAD // EB, EB),
                       dst1.reshape(EPAD // EB, EB)], axis=1)
    batch2 = jnp.pad(batch, (0, NPAD2 - N), constant_values=G)
    batch_n = jnp.pad(batch, (0, NPAD - N), constant_values=G)
    ones_h = jnp.ones((512, 16), f32)
    z16 = jnp.zeros((NPAD, 16), f32)

    p1s, r1 = _k_pre(x_pad, W_pre, b_pre.reshape(1, 64), W1_l, W1_r,
                     b1.reshape(1, 32))
    deg, gcnt = _sc_deg(dst1, batch2, ones_h, z16)
    agg1 = _sc_layer(p1s, edata, z16)
    p2s, r2, degc = _k_mid(agg1, deg, r1, W2_l, W2_r, b2.reshape(1, 32))
    agg2 = _sc_layer(p2s, edata, z16)
    (h3s,) = _k_post(agg2, degc, r2)
    pool = _sc_pool(h3s, batch_n, z16[:GPAD])
    out = _k_final(pool[0, :G], pool[1, :G], gcnt[0, :G, :1], gcnt[1, :G, :1],
                   W_p1, b_p1.reshape(1, 64), W_p2, b_p2.reshape(1, 32),
                   W_out, b_out.reshape(1, 1))
    return out

# --- scband reference (transcript-rebuilt; emitter-appended) ---
"""Pipeline reference for scband-sage-2508260901292 (READ-ONLY COPY).

The authoritative reference and input builder live on the scoring server;
editing this copy changes nothing except your own understanding.
"""

import jax, jax.numpy as jnp
import numpy as np

N_NODES = 100000
N_EDGES = 1600000
N_GRAPHS = 512
N_FL1, N_MPL, N_FL2, N_FL3 = 64, 32, 64, 32


def setup_inputs(seed: int = 0) -> dict:
    key = jax.random.key(seed)
    ks = jax.random.split(key, 20)
    x = jax.random.normal(ks[0], (N_NODES, 5), dtype=jnp.float32)
    edge_index = jax.random.randint(ks[1], (2, N_EDGES), 0, N_NODES, dtype=jnp.int32)
    batch = jnp.sort(jax.random.randint(ks[2], (N_NODES,), 0, N_GRAPHS, dtype=jnp.int32))
    def w(k, shape):
        return jax.random.normal(k, shape, dtype=jnp.float32) * 0.1
    return {
        "x": x,
        "edge_index": edge_index,
        "batch": batch,
        "W_pre": w(ks[3], (5, N_FL1)), "b_pre": jnp.zeros((N_FL1,), jnp.float32),
        "W1_l": w(ks[4], (N_FL1, N_MPL)), "b1": jnp.zeros((N_MPL,), jnp.float32),
        "W1_r": w(ks[5], (N_FL1, N_MPL)),
        "W2_l": w(ks[6], (N_MPL, N_MPL)), "b2": jnp.zeros((N_MPL,), jnp.float32),
        "W2_r": w(ks[7], (N_MPL, N_MPL)),
        "W_p1": w(ks[8], (N_MPL, N_FL2)), "b_p1": jnp.zeros((N_FL2,), jnp.float32),
        "W_p2": w(ks[9], (N_FL2, N_FL3)), "b_p2": jnp.zeros((N_FL3,), jnp.float32),
        "W_out": w(ks[10], (N_FL3, 1)), "b_out": jnp.zeros((1,), jnp.float32),
    }


def _sage_conv(h, src, dst, W_l, b_l, W_r):
    # PyG SAGEConv: out = lin_l(mean_{j in N(i)} x_j) + lin_r(x_i); normalize=True -> L2 normalize
    msg = h[src]
    agg = jax.ops.segment_sum(msg, dst, num_segments=N_NODES)
    cnt = jax.ops.segment_sum(jnp.ones((src.shape[0], 1), h.dtype), dst, num_segments=N_NODES)
    mean = agg / jnp.maximum(cnt, 1.0)
    out = mean @ W_l + b_l + h @ W_r
    nrm = jnp.sqrt(jnp.sum(out * out, axis=-1, keepdims=True))
    return out / jnp.maximum(nrm, 1e-12)


def reference(x, edge_index, batch, W_pre, b_pre, W1_l, b1, W1_r, W2_l, b2, W2_r,
              W_p1, b_p1, W_p2, b_p2, W_out, b_out):
    src = edge_index[0]
    dst = edge_index[1]
    h = jax.nn.relu(x @ W_pre + b_pre)
    h = jax.nn.relu(_sage_conv(h, src, dst, W1_l, b1, W1_r))
    h = jax.nn.relu(_sage_conv(h, src, dst, W2_l, b2, W2_r))
    # global_mean_pool
    s = jax.ops.segment_sum(h, batch, num_segments=N_GRAPHS)
    c = jax.ops.segment_sum(jnp.ones((h.shape[0], 1), h.dtype), batch, num_segments=N_GRAPHS)
    g = s / jnp.maximum(c, 1.0)
    g = jax.nn.relu(g @ W_p1 + b_p1)
    g = jax.nn.relu(g @ W_p2 + b_p2)
    return g @ W_out + b_out

if __name__ == "__main__":
    import jax
    _d = setup_inputs()
    print(jax.jit(kernel)(*tuple(_d.values())))

</pallas_src>

<mosaic_0001>
#map = affine_map<(d0, d1) -> (0, 0, 0)>
#map1 = affine_map<(d0, d1) -> (0, 0)>
module attributes {stable_mosaic.version = 14 : i64} {
  func.func @_sc_layer(%arg0: i32, %arg1: i32, %arg2: memref<2x100352x16xf32, #tpu.memory_space<hbm>>, %arg3: memref<3200x2x512xi32, #tpu.memory_space<hbm>>, %arg4: memref<100352x16xf32, #tpu.memory_space<hbm>>, %arg5: memref<2x100352x16xf32, #tpu.memory_space<hbm>>, %arg6: memref<3x2x512xi32, #tpu.memory_space<vmem>>, %arg7: memref<2x512x16xf32, #tpu.memory_space<vmem>>, %arg8: memref<100352x16xf32, #tpu.memory_space<vmem_shared>>, %arg9: memref<!tpu.dma_semaphore, #tpu.memory_space<semaphore_mem>>, %arg10: memref<!tpu.dma_semaphore, #tpu.memory_space<semaphore_mem>>, %arg11: memref<!tpu.dma_semaphore, #tpu.memory_space<semaphore_mem>>) attributes {dimension_semantics = [#tpu.dimension_semantics<core_parallel>, #tpu.dimension_semantics<subcore_parallel>], iteration_bounds = array<i64: 2, 16>, scalar_prefetch = 0 : i64, scratch_operands = 6 : i64, tpu.core_type = #tpu.core_type<sc_vector_subcore>, window_params = [{transform_indices = #map}, {transform_indices = #map}, {transform_indices = #map1}, {transform_indices = #map}]} {
    %mul3A = arith.constant 6272 : i32
    %mul3A_0 = arith.muli %arg1, %mul3A : i32
    "tpu.region"() ({
      %run_scoped3A_42 = tpu.sem_alloc : memref<!tpu.dma_semaphore, #tpu.memory_space<semaphore_mem>>
      %dma_start3A = arith.constant 0 : i32
      %dma_start3A_43 = tpu.memref_slice %arg8[%mul3A_0, %dma_start3A] : memref<100352x16xf32, #tpu.memory_space<vmem_shared>> -> memref<6272x16xf32, #tpu.memory_space<vmem_shared>>
      %dma_start3A_44 = arith.constant 0 : i32
      %dma_start3A_45 = tpu.memref_slice %arg4[%mul3A_0, %dma_start3A_44] : memref<100352x16xf32, #tpu.memory_space<hbm>> -> memref<6272x16xf32, #tpu.memory_space<hbm>>
      tpu.enqueue_dma source(%dma_start3A_45 : memref<6272x16xf32, #tpu.memory_space<hbm>>) target(%dma_start3A_43 : memref<6272x16xf32, #tpu.memory_space<vmem_shared>>) target_semaphore(%run_scoped3A_42 : memref<!tpu.dma_semaphore, #tpu.memory_space<semaphore_mem>>)
      %dma_wait3A_46 = arith.constant 0 : i32
      %dma_wait3A_47 = tpu.memref_slice %arg8[%mul3A_0, %dma_wait3A_46] : memref<100352x16xf32, #tpu.memory_space<vmem_shared>> -> memref<6272x16xf32, #tpu.memory_space<vmem_shared>>
      %dma_wait3A_48 = arith.constant 0 : i32
      %dma_wait3A_49 = tpu.memref_slice %arg4[%mul3A_0, %dma_wait3A_48] : memref<100352x16xf32, #tpu.memory_space<hbm>> -> memref<6272x16xf32, #tpu.memory_space<hbm>>
      tpu.wait_dma2 semaphore(%run_scoped3A_42 : memref<!tpu.dma_semaphore, #tpu.memory_space<semaphore_mem>>) src(%dma_wait3A_49 : memref<6272x16xf32, #tpu.memory_space<hbm>>) dst(%dma_wait3A_47 : memref<6272x16xf32, #tpu.memory_space<vmem_shared>>)
      tpu.yield
    }) : () -> ()
    %barrier3A = arith.constant 0 : index
    tpu.barrier barrier_id(%barrier3A)
    %mul3A_1 = arith.constant 200 : i32
    %mul3A_2 = arith.muli %arg1, %mul3A_1 : i32
    %run_scoped3A = arith.constant 0 : i32
    "tpu.region"() ({
      %run_scoped3A_42 = tpu.sem_alloc : memref<!tpu.dma_semaphore, #tpu.memory_space<semaphore_mem>>
      %dma_start3A = arith.constant 0 : i32
      %dma_start3A_43 = arith.constant 0 : i32
      %dma_start3A_44 = tpu.memref_slice %arg6[%run_scoped3A, %dma_start3A, %dma_start3A_43] : memref<3x2x512xi32, #tpu.memory_space<vmem>> -> memref<1x2x512xi32, #tpu.memory_space<vmem>>
      %dma_start3A_45 = tpu.memref_squeeze %dma_start3A_44 : memref<1x2x512xi32, #tpu.memory_space<vmem>> -> memref<2x512xi32, #tpu.memory_space<vmem>>
      %dma_start3A_46 = arith.constant 0 : i32
      %dma_start3A_47 = arith.constant 0 : i32
      %dma_start3A_48 = tpu.memref_slice %arg3[%mul3A_2, %dma_start3A_46, %dma_start3A_47] : memref<3200x2x512xi32, #tpu.memory_space<hbm>> -> memref<1x2x512xi32, #tpu.memory_space<hbm>>
      %dma_start3A_49 = tpu.memref_squeeze %dma_start3A_48 : memref<1x2x512xi32, #tpu.memory_space<hbm>> -> memref<2x512xi32, #tpu.memory_space<hbm>>
      %dma_start3A_50 = arith.constant 0 : i32
      %dma_start3A_51 = arith.constant 0 : i32
      %dma_start3A_52 = tpu.memref_slice %arg6[%run_scoped3A, %dma_start3A_50, %dma_start3A_51] : memref<3x2x512xi32, #tpu.memory_space<vmem>> -> memref<1x2x512xi32, #tpu.memory_space<vmem>>
      %dma_start3A_53 = tpu.memref_squeeze %dma_start3A_52 : memref<1x2x512xi32, #tpu.memory_space<vmem>> -> memref<2x512xi32, #tpu.memory_space<vmem>>
      %dma_start3A_54 = arith.constant 0 : i32
      %dma_start3A_55 = arith.constant 0 : i32
      %dma_start3A_56 = tpu.memref_slice %arg3[%mul3A_2, %dma_start3A_54, %dma_start3A_55] : memref<3200x2x512xi32, #tpu.memory_space<hbm>> -> memref<1x2x512xi32, #tpu.memory_space<hbm>>
      %dma_start3A_57 = tpu.memref_squeeze %dma_start3A_56 : memref<1x2x512xi32, #tpu.memory_space<hbm>> -> memref<2x512xi32, #tpu.memory_space<hbm>>
      tpu.enqueue_dma source(%dma_start3A_57 : memref<2x512xi32, #tpu.memory_space<hbm>>) target(%dma_start3A_53 : memref<2x512xi32, #tpu.memory_space<vmem>>) target_semaphore(%run_scoped3A_42 : memref<!tpu.dma_semaphore, #tpu.memory_space<semaphore_mem>>)
      %dma_wait3A_58 = arith.constant 0 : i32
      %dma_wait3A_59 = arith.constant 0 : i32
      %dma_wait3A_60 = tpu.memref_slice %arg6[%run_scoped3A, %dma_wait3A_58, %dma_wait3A_59] : memref<3x2x512xi32, #tpu.memory_space<vmem>> -> memref<1x2x512xi32, #tpu.memory_space<vmem>>
      %dma_wait3A_61 = tpu.memref_squeeze %dma_wait3A_60 : memref<1x2x512xi32, #tpu.memory_space<vmem>> -> memref<2x512xi32, #tpu.memory_space<vmem>>
      %dma_wait3A_62 = arith.constant 0 : i32
      %dma_wait3A_63 = arith.constant 0 : i32
      %dma_wait3A_64 = tpu.memref_slice %arg3[%mul3A_2, %dma_wait3A_62, %dma_wait3A_63] : memref<3200x2x512xi32, #tpu.memory_space<hbm>> -> memref<1x2x512xi32, #tpu.memory_space<hbm>>
      %dma_wait3A_65 = tpu.memref_squeeze %dma_wait3A_64 : memref<1x2x512xi32, #tpu.memory_space<hbm>> -> memref<2x512xi32, #tpu.memory_space<hbm>>
      %dma_wait3A_66 = arith.constant 0 : i32
      %dma_wait3A_67 = arith.constant 0 : i32
      %dma_wait3A_68 = tpu.memref_slice %arg6[%run_scoped3A, %dma_wait3A_66, %dma_wait3A_67] : memref<3x2x512xi32, #tpu.memory_space<vmem>> -> memref<1x2x512xi32, #tpu.memory_space<vmem>>
      %dma_wait3A_69 = tpu.memref_squeeze %dma_wait3A_68 : memref<1x2x512xi32, #tpu.memory_space<vmem>> -> memref<2x512xi32, #tpu.memory_space<vmem>>
      %dma_wait3A_70 = arith.constant 0 : i32
      %dma_wait3A_71 = arith.constant 0 : i32
      %dma_wait3A_72 = tpu.memref_slice %arg3[%mul3A_2, %dma_wait3A_70, %dma_wait3A_71] : memref<3200x2x512xi32, #tpu.memory_space<hbm>> -> memref<1x2x512xi32, #tpu.memory_space<hbm>>
      %dma_wait3A_73 = tpu.memref_squeeze %dma_wait3A_72 : memref<1x2x512xi32, #tpu.memory_space<hbm>> -> memref<2x512xi32, #tpu.memory_space<hbm>>
      tpu.wait_dma2 semaphore(%run_scoped3A_42 : memref<!tpu.dma_semaphore, #tpu.memory_space<semaphore_mem>>) src(%dma_wait3A_73 : memref<2x512xi32, #tpu.memory_space<hbm>>) dst(%dma_wait3A_69 : memref<2x512xi32, #tpu.memory_space<vmem>>)
      tpu.yield
    }) : () -> ()
    %scan3A = arith.constant 0 : i32
    %scan3A_3 = arith.constant 0 : i32
    %scan3A_4 = arith.constant 200 : i32
    %scan3A_5 = arith.addi %scan3A_3, %scan3A_4 : i32
    %scan3A_6 = arith.constant 1 : i32
    scf.for %scan3A_42 = %scan3A_3 to %scan3A_5 step %scan3A_6  : i32 {
      %jit3A = arith.constant 2 : i32
      %eq3A = arith.constant 0 : i32
      %eq3A_43 = arith.cmpi eq, %jit3A, %eq3A : i32
      %jit3A_44 = arith.constant 1 : i32
      %select_n3A = arith.select %eq3A_43, %jit3A_44, %jit3A : i32
      %rem3A = arith.remsi %scan3A_42, %select_n3A : i32
      %ne3A = arith.constant 0 : i32
      %ne3A_45 = arith.cmpi ne, %rem3A, %ne3A : i32
      %lt3A = arith.constant 0 : i32
      %lt3A_46 = arith.cmpi slt, %rem3A, %lt3A : i32
      %lt3A_47 = arith.constant 0 : i32
      %lt3A_48 = arith.cmpi slt, %select_n3A, %lt3A_47 : i32
      %ne3A_49 = arith.xori %lt3A_46, %lt3A_48 : i1
      %and3A = arith.andi %ne3A_49, %ne3A_45 : i1
      %add3A = arith.addi %rem3A, %select_n3A : i32
      %select_n3A_50 = arith.select %and3A, %add3A, %rem3A : i32
      %jit3A_51 = arith.constant 3 : i32
      %eq3A_52 = arith.constant 0 : i32
      %eq3A_53 = arith.cmpi eq, %jit3A_51, %eq3A_52 : i32
      %jit3A_54 = arith.constant 1 : i32
      %select_n3A_55 = arith.select %eq3A_53, %jit3A_54, %jit3A_51 : i32
      %rem3A_56 = arith.remsi %scan3A_42, %select_n3A_55 : i32
      %ne3A_57 = arith.constant 0 : i32
      %ne3A_58 = arith.cmpi ne, %rem3A_56, %ne3A_57 : i32
      %lt3A_59 = arith.constant 0 : i32
      %lt3A_60 = arith.cmpi slt, %rem3A_56, %lt3A_59 : i32
      %lt3A_61 = arith.constant 0 : i32
      %lt3A_62 = arith.cmpi slt, %select_n3A_55, %lt3A_61 : i32
      %ne3A_63 = arith.xori %lt3A_60, %lt3A_62 : i1
      %and3A_64 = arith.andi %ne3A_63, %ne3A_58 : i1
      %add3A_65 = arith.addi %rem3A_56, %select_n3A_55 : i32
      %select_n3A_66 = arith.select %and3A_64, %add3A_65, %rem3A_56 : i32
      %ge3A = arith.constant 2 : i32
      %ge3A_67 = arith.cmpi sge, %scan3A_42, %ge3A : i32
      %convert_element_type3A = arith.extui %ge3A_67 : i1 to i32
      %cond3A = arith.constant 0 : i32
      %cond3A_68 = arith.cmpi ne, %convert_element_type3A, %cond3A : i32
      scf.if %cond3A_68 {
        %dma_wait3A_133 = arith.constant 1 : i32
        %dma_wait3A_134 = arith.constant 0 : i32
        %dma_wait3A_135 = arith.constant 0 : i32
        %dma_wait3A_136 = tpu.memref_slice %arg7[%select_n3A_50, %dma_wait3A_134, %dma_wait3A_135] : memref<2x512x16xf32, #tpu.memory_space<vmem>> -> memref<1x512x16xf32, #tpu.memory_space<vmem>>
        %dma_wait3A_137 = tpu.memref_squeeze %dma_wait3A_136 : memref<1x512x16xf32, #tpu.memory_space<vmem>> -> memref<512x16xf32, #tpu.memory_space<vmem>>
        %dma_wait3A_138 = arith.constant 0 : i32
        %dma_wait3A_139 = arith.constant 0 : i32
        %dma_wait3A_140 = tpu.memref_slice %arg6[%select_n3A_66, %dma_wait3A_138, %dma_wait3A_139] : memref<3x2x512xi32, #tpu.memory_space<vmem>> -> memref<1x2x512xi32, #tpu.memory_space<vmem>>
        %dma_wait3A_141 = tpu.memref_squeeze %dma_wait3A_140 : memref<1x2x512xi32, #tpu.memory_space<vmem>> -> memref<2x512xi32, #tpu.memory_space<vmem>>
        %dma_wait3A_142 = arith.constant 0 : i32
        %dma_wait3A_143 = tpu.memref_slice %dma_wait3A_141[%dma_wait3A_133, %dma_wait3A_142] : memref<2x512xi32, #tpu.memory_space<vmem>> -> memref<1x512xi32, #tpu.memory_space<vmem>>
        %dma_wait3A_144 = tpu.memref_squeeze %dma_wait3A_143 : memref<1x512xi32, #tpu.memory_space<vmem>> -> memref<512xi32, #tpu.memory_space<vmem>>
        %dma_wait3A_145 = arith.constant 0 : i32
        %dma_wait3A_146 = arith.constant 0 : i32
        %dma_wait3A_147 = tpu.memref_slice %arg8[%dma_wait3A_145, %dma_wait3A_146] : memref<100352x16xf32, #tpu.memory_space<vmem_shared>> -> memref<100352x16xf32, #tpu.memory_space<vmem_shared>>
        tpu.wait_indirect_dma semaphore(%arg10 : memref<!tpu.dma_semaphore, #tpu.memory_space<semaphore_mem>>) src(%dma_wait3A_137 : memref<512x16xf32, #tpu.memory_space<vmem>>) dst(%dma_wait3A_147 : memref<100352x16xf32, #tpu.memory_space<vmem_shared>>)
      } else {
      }
      %add3A_69 = arith.constant 1 : i32
      %add3A_70 = arith.addi %scan3A_42, %add3A_69 : i32
      %lt3A_71 = arith.constant 200 : i32
      %lt3A_72 = arith.cmpi slt, %add3A_70, %lt3A_71 : i32
      %convert_element_type3A_73 = arith.extui %lt3A_72 : i1 to i32
      %cond3A_74 = arith.constant 0 : i32
      %cond3A_75 = arith.cmpi ne, %convert_element_type3A_73, %cond3A_74 : i32
      scf.if %cond3A_75 {
        %mul3A_133 = arith.constant 200 : i32
        %mul3A_134 = arith.muli %arg1, %mul3A_133 : i32
        %add3A_135 = arith.addi %mul3A_134, %scan3A_42 : i32
        %add3A_136 = arith.constant 1 : i32
        %add3A_137 = arith.addi %add3A_135, %add3A_136 : i32
        %add3A_138 = arith.constant 1 : i32
        %add3A_139 = arith.addi %scan3A_42, %add3A_138 : i32
        %jit3A_140 = arith.constant 3 : i32
        %eq3A_141 = arith.constant 0 : i32
        %eq3A_142 = arith.cmpi eq, %jit3A_140, %eq3A_141 : i32
        %jit3A_143 = arith.constant 1 : i32
        %select_n3A_144 = arith.select %eq3A_142, %jit3A_143, %jit3A_140 : i32
        %rem3A_145 = arith.remsi %add3A_139, %select_n3A_144 : i32
        %ne3A_146 = arith.constant 0 : i32
        %ne3A_147 = arith.cmpi ne, %rem3A_145, %ne3A_146 : i32
        %lt3A_148 = arith.constant 0 : i32
        %lt3A_149 = arith.cmpi slt, %rem3A_145, %lt3A_148 : i32
        %lt3A_150 = arith.constant 0 : i32
        %lt3A_151 = arith.cmpi slt, %select_n3A_144, %lt3A_150 : i32
        %ne3A_152 = arith.xori %lt3A_149, %lt3A_151 : i1
        %and3A_153 = arith.andi %ne3A_152, %ne3A_147 : i1
        %add3A_154 = arith.addi %rem3A_145, %select_n3A_144 : i32
        %select_n3A_155 = arith.select %and3A_153, %add3A_154, %rem3A_145 : i32
        %dma_start3A_156 = arith.constant 0 : i32
        %dma_start3A_157 = arith.constant 0 : i32
        %dma_start3A_158 = tpu.memref_slice %arg6[%select_n3A_155, %dma_start3A_156, %dma_start3A_157] : memref<3x2x512xi32, #tpu.memory_space<vmem>> -> memref<1x2x512xi32, #tpu.memory_space<vmem>>
        %dma_start3A_159 = tpu.memref_squeeze %dma_start3A_158 : memref<1x2x512xi32, #tpu.memory_space<vmem>> -> memref<2x512xi32, #tpu.memory_space<vmem>>
        %dma_start3A_160 = arith.constant 0 : i32
        %dma_start3A_161 = arith.constant 0 : i32
        %dma_start3A_162 = tpu.memref_slice %arg3[%add3A_137, %dma_start3A_160, %dma_start3A_161] : memref<3200x2x512xi32, #tpu.memory_space<hbm>> -> memref<1x2x512xi32, #tpu.memory_space<hbm>>
        %dma_start3A_163 = tpu.memref_squeeze %dma_start3A_162 : memref<1x2x512xi32, #tpu.memory_space<hbm>> -> memref<2x512xi32, #tpu.memory_space<hbm>>
        %dma_start3A_164 = arith.constant 0 : i32
        %dma_start3A_165 = arith.constant 0 : i32
        %dma_start3A_166 = tpu.memref_slice %arg6[%select_n3A_155, %dma_start3A_164, %dma_start3A_165] : memref<3x2x512xi32, #tpu.memory_space<vmem>> -> memref<1x2x512xi32, #tpu.memory_space<vmem>>
        %dma_start3A_167 = tpu.memref_squeeze %dma_start3A_166 : memref<1x2x512xi32, #tpu.memory_space<vmem>> -> memref<2x512xi32, #tpu.memory_space<vmem>>
        %dma_start3A_168 = arith.constant 0 : i32
        %dma_start3A_169 = arith.constant 0 : i32
        %dma_start3A_170 = tpu.memref_slice %arg3[%add3A_137, %dma_start3A_168, %dma_start3A_169] : memref<3200x2x512xi32, #tpu.memory_space<hbm>> -> memref<1x2x512xi32, #tpu.memory_space<hbm>>
        %dma_start3A_171 = tpu.memref_squeeze %dma_start3A_170 : memref<1x2x512xi32, #tpu.memory_space<hbm>> -> memref<2x512xi32, #tpu.memory_space<hbm>>
        tpu.enqueue_dma source(%dma_start3A_171 : memref<2x512xi32, #tpu.memory_space<hbm>>) target(%dma_start3A_167 : memref<2x512xi32, #tpu.memory_space<vmem>>) target_semaphore(%arg11 : memref<!tpu.dma_semaphore, #tpu.memory_space<semaphore_mem>>)
      } else {
      }
      %ge3A_76 = arith.constant 1 : i32
      %ge3A_77 = arith.cmpi sge, %scan3A_42, %ge3A_76 : i32
      %convert_element_type3A_78 = arith.extui %ge3A_77 : i1 to i32
      %cond3A_79 = arith.constant 0 : i32
      %cond3A_80 = arith.cmpi ne, %convert_element_type3A_78, %cond3A_79 : i32
      scf.if %cond3A_80 {
        %mul3A_133 = arith.constant 200 : i32
        %mul3A_134 = arith.muli %arg1, %mul3A_133 : i32
        %add3A_135 = arith.addi %mul3A_134, %scan3A_42 : i32
        %dma_wait3A_136 = arith.constant 0 : i32
        %dma_wait3A_137 = arith.constant 0 : i32
        %dma_wait3A_138 = tpu.memref_slice %arg6[%select_n3A_66, %dma_wait3A_136, %dma_wait3A_137] : memref<3x2x512xi32, #tpu.memory_space<vmem>> -> memref<1x2x512xi32, #tpu.memory_space<vmem>>
        %dma_wait3A_139 = tpu.memref_squeeze %dma_wait3A_138 : memref<1x2x512xi32, #tpu.memory_space<vmem>> -> memref<2x512xi32, #tpu.memory_space<vmem>>
        %dma_wait3A_140 = arith.constant 0 : i32
        %dma_wait3A_141 = arith.constant 0 : i32
        %dma_wait3A_142 = tpu.memref_slice %arg3[%add3A_135, %dma_wait3A_140, %dma_wait3A_141] : memref<3200x2x512xi32, #tpu.memory_space<hbm>> -> memref<1x2x512xi32, #tpu.memory_space<hbm>>
        %dma_wait3A_143 = tpu.memref_squeeze %dma_wait3A_142 : memref<1x2x512xi32, #tpu.memory_space<hbm>> -> memref<2x512xi32, #tpu.memory_space<hbm>>
        %dma_wait3A_144 = arith.constant 0 : i32
        %dma_wait3A_145 = arith.constant 0 : i32
        %dma_wait3A_146 = tpu.memref_slice %arg6[%select_n3A_66, %dma_wait3A_144, %dma_wait3A_145] : memref<3x2x512xi32, #tpu.memory_space<vmem>> -> memref<1x2x512xi32, #tpu.memory_space<vmem>>
        %dma_wait3A_147 = tpu.memref_squeeze %dma_wait3A_146 : memref<1x2x512xi32, #tpu.memory_space<vmem>> -> memref<2x512xi32, #tpu.memory_space<vmem>>
        %dma_wait3A_148 = arith.constant 0 : i32
        %dma_wait3A_149 = arith.constant 0 : i32
        %dma_wait3A_150 = tpu.memref_slice %arg3[%add3A_135, %dma_wait3A_148, %dma_wait3A_149] : memref<3200x2x512xi32, #tpu.memory_space<hbm>> -> memref<1x2x512xi32, #tpu.memory_space<hbm>>
        %dma_wait3A_151 = tpu.memref_squeeze %dma_wait3A_150 : memref<1x2x512xi32, #tpu.memory_space<hbm>> -> memref<2x512xi32, #tpu.memory_space<hbm>>
        tpu.wait_dma2 semaphore(%arg11 : memref<!tpu.dma_semaphore, #tpu.memory_space<semaphore_mem>>) src(%dma_wait3A_151 : memref<2x512xi32, #tpu.memory_space<hbm>>) dst(%dma_wait3A_147 : memref<2x512xi32, #tpu.memory_space<vmem>>)
      } else {
      }
      %dma_start3A = arith.constant 0 : i32
      %dma_start3A_81 = arith.constant 0 : i32
      %dma_start3A_82 = arith.constant 0 : i32
      %dma_start3A_83 = tpu.memref_slice %arg7[%select_n3A_50, %dma_start3A_81, %dma_start3A_82] : memref<2x512x16xf32, #tpu.memory_space<vmem>> -> memref<1x512x16xf32, #tpu.memory_space<vmem>>
      %dma_start3A_84 = tpu.memref_squeeze %dma_start3A_83 : memref<1x512x16xf32, #tpu.memory_space<vmem>> -> memref<512x16xf32, #tpu.memory_space<vmem>>
      %dma_start3A_85 = arith.constant 0 : i32
      %dma_start3A_86 = arith.constant 0 : i32
      %dma_start3A_87 = tpu.memref_slice %arg6[%select_n3A_66, %dma_start3A_85, %dma_start3A_86] : memref<3x2x512xi32, #tpu.memory_space<vmem>> -> memref<1x2x512xi32, #tpu.memory_space<vmem>>
      %dma_start3A_88 = tpu.memref_squeeze %dma_start3A_87 : memref<1x2x512xi32, #tpu.memory_space<vmem>> -> memref<2x512xi32, #tpu.memory_space<vmem>>
      %dma_start3A_89 = arith.constant 0 : i32
      %dma_start3A_90 = tpu.memref_slice %dma_start3A_88[%dma_start3A, %dma_start3A_89] : memref<2x512xi32, #tpu.memory_space<vmem>> -> memref<1x512xi32, #tpu.memory_space<vmem>>
      %dma_start3A_91 = tpu.memref_squeeze %dma_start3A_90 : memref<1x512xi32, #tpu.memory_space<vmem>> -> memref<512xi32, #tpu.memory_space<vmem>>
      %dma_start3A_92 = arith.constant 0 : i32
      %dma_start3A_93 = arith.constant 0 : i32
      %dma_start3A_94 = tpu.memref_slice %arg2[%arg0, %dma_start3A_92, %dma_start3A_93] : memref<2x100352x16xf32, #tpu.memory_space<hbm>> -> memref<1x100352x16xf32, #tpu.memory_space<hbm>>
      %dma_start3A_95 = tpu.memref_squeeze %dma_start3A_94 : memref<1x100352x16xf32, #tpu.memory_space<hbm>> -> memref<100352x16xf32, #tpu.memory_space<hbm>>
      %dma_start3A_96 = arith.constant 0 : i32
      %dma_start3A_97 = arith.constant 0 : i32
      %dma_start3A_98 = tpu.memref_slice %dma_start3A_95[%dma_start3A_96, %dma_start3A_97] : memref<100352x16xf32, #tpu.memory_space<hbm>> -> memref<100352x16xf32, #tpu.memory_space<hbm>>
      tpu.enqueue_indirect_dma source(%dma_start3A_98 : memref<100352x16xf32, #tpu.memory_space<hbm>>) target(%dma_start3A_84 : memref<512x16xf32, #tpu.memory_space<vmem>>) offsets(%dma_start3A_91 : memref<512xi32, #tpu.memory_space<vmem>>) semaphore(%arg9 : memref<!tpu.dma_semaphore, #tpu.memory_space<semaphore_mem>>)
      %dma_wait3A_99 = arith.constant 0 : i32
      %dma_wait3A_100 = arith.constant 0 : i32
      %dma_wait3A_101 = arith.constant 0 : i32
      %dma_wait3A_102 = tpu.memref_slice %arg7[%select_n3A_50, %dma_wait3A_100, %dma_wait3A_101] : memref<2x512x16xf32, #tpu.memory_space<vmem>> -> memref<1x512x16xf32, #tpu.memory_space<vmem>>
      %dma_wait3A_103 = tpu.memref_squeeze %dma_wait3A_102 : memref<1x512x16xf32, #tpu.memory_space<vmem>> -> memref<512x16xf32, #tpu.memory_space<vmem>>
      %dma_wait3A_104 = arith.constant 0 : i32
      %dma_wait3A_105 = arith.constant 0 : i32
      %dma_wait3A_106 = tpu.memref_slice %arg6[%select_n3A_66, %dma_wait3A_104, %dma_wait3A_105] : memref<3x2x512xi32, #tpu.memory_space<vmem>> -> memref<1x2x512xi32, #tpu.memory_space<vmem>>
      %dma_wait3A_107 = tpu.memref_squeeze %dma_wait3A_106 : memref<1x2x512xi32, #tpu.memory_space<vmem>> -> memref<2x512xi32, #tpu.memory_space<vmem>>
      %dma_wait3A_108 = arith.constant 0 : i32
      %dma_wait3A_109 = tpu.memref_slice %dma_wait3A_107[%dma_wait3A_99, %dma_wait3A_108] : memref<2x512xi32, #tpu.memory_space<vmem>> -> memref<1x512xi32, #tpu.memory_space<vmem>>
      %dma_wait3A_110 = tpu.memref_squeeze %dma_wait3A_109 : memref<1x512xi32, #tpu.memory_space<vmem>> -> memref<512xi32, #tpu.memory_space<vmem>>
      %dma_wait3A_111 = arith.constant 0 : i32
      %dma_wait3A_112 = arith.constant 0 : i32
      %dma_wait3A_113 = tpu.memref_slice %arg2[%arg0, %dma_wait3A_111, %dma_wait3A_112] : memref<2x100352x16xf32, #tpu.memory_space<hbm>> -> memref<1x100352x16xf32, #tpu.memory_space<hbm>>
      %dma_wait3A_114 = tpu.memref_squeeze %dma_wait3A_113 : memref<1x100352x16xf32, #tpu.memory_space<hbm>> -> memref<100352x16xf32, #tpu.memory_space<hbm>>
      %dma_wait3A_115 = arith.constant 0 : i32
      %dma_wait3A_116 = arith.constant 0 : i32
      %dma_wait3A_117 = tpu.memref_slice %dma_wait3A_114[%dma_wait3A_115, %dma_wait3A_116] : memref<100352x16xf32, #tpu.memory_space<hbm>> -> memref<100352x16xf32, #tpu.memory_space<hbm>>
      tpu.wait_indirect_dma semaphore(%arg9 : memref<!tpu.dma_semaphore, #tpu.memory_space<semaphore_mem>>) src(%dma_wait3A_117 : memref<100352x16xf32, #tpu.memory_space<hbm>>) dst(%dma_wait3A_103 : memref<512x16xf32, #tpu.memory_space<vmem>>)
      %dma_start3A_118 = arith.constant 1 : i32
      %dma_start3A_119 = arith.constant 0 : i32
      %dma_start3A_120 = arith.constant 0 : i32
      %dma_start3A_121 = tpu.memref_slice %arg7[%select_n3A_50, %dma_start3A_119, %dma_start3A_120] : memref<2x512x16xf32, #tpu.memory_space<vmem>> -> memref<1x512x16xf32, #tpu.memory_space<vmem>>
      %dma_start3A_122 = tpu.memref_squeeze %dma_start3A_121 : memref<1x512x16xf32, #tpu.memory_space<vmem>> -> memref<512x16xf32, #tpu.memory_space<vmem>>
      %dma_start3A_123 = arith.constant 0 : i32
      %dma_start3A_124 = arith.constant 0 : i32
      %dma_start3A_125 = tpu.memref_slice %arg6[%select_n3A_66, %dma_start3A_123, %dma_start3A_124] : memref<3x2x512xi32, #tpu.memory_space<vmem>> -> memref<1x2x512xi32, #tpu.memory_space<vmem>>
      %dma_start3A_126 = tpu.memref_squeeze %dma_start3A_125 : memref<1x2x512xi32, #tpu.memory_space<vmem>> -> memref<2x512xi32, #tpu.memory_space<vmem>>
      %dma_start3A_127 = arith.constant 0 : i32
      %dma_start3A_128 = tpu.memref_slice %dma_start3A_126[%dma_start3A_118, %dma_start3A_127] : memref<2x512xi32, #tpu.memory_space<vmem>> -> memref<1x512xi32, #tpu.memory_space<vmem>>
      %dma_start3A_129 = tpu.memref_squeeze %dma_start3A_128 : memref<1x512xi32, #tpu.memory_space<vmem>> -> memref<512xi32, #tpu.memory_space<vmem>>
      %dma_start3A_130 = arith.constant 0 : i32
      %dma_start3A_131 = arith.constant 0 : i32
      %dma_start3A_132 = tpu.memref_slice %arg8[%dma_start3A_130, %dma_start3A_131] : memref<100352x16xf32, #tpu.memory_space<vmem_shared>> -> memref<100352x16xf32, #tpu.memory_space<vmem_shared>>
      tpu.enqueue_indirect_dma source(%dma_start3A_122 : memref<512x16xf32, #tpu.memory_space<vmem>>) target(%dma_start3A_132 : memref<100352x16xf32, #tpu.memory_space<vmem_shared>>) offsets(%dma_start3A_129 : memref<512xi32, #tpu.memory_space<vmem>>) semaphore(%arg10 : memref<!tpu.dma_semaphore, #tpu.memory_space<semaphore_mem>>) {add = true}
    }
    %scan3A_7 = arith.constant 200 : i32
    %dma_wait3A = arith.constant 0 : i32
    %dma_wait3A_8 = arith.constant 0 : i32
    %dma_wait3A_9 = arith.constant 1 : i32
    %dma_wait3A_10 = arith.constant 0 : i32
    %dma_wait3A_11 = arith.constant 0 : i32
    %dma_wait3A_12 = tpu.memref_slice %arg7[%dma_wait3A, %dma_wait3A_10, %dma_wait3A_11] : memref<2x512x16xf32, #tpu.memory_space<vmem>> -> memref<1x512x16xf32, #tpu.memory_space<vmem>>
    %dma_wait3A_13 = tpu.memref_squeeze %dma_wait3A_12 : memref<1x512x16xf32, #tpu.memory_space<vmem>> -> memref<512x16xf32, #tpu.memory_space<vmem>>
    %dma_wait3A_14 = arith.constant 0 : i32
    %dma_wait3A_15 = arith.constant 0 : i32
    %dma_wait3A_16 = tpu.memref_slice %arg6[%dma_wait3A_8, %dma_wait3A_14, %dma_wait3A_15] : memref<3x2x512xi32, #tpu.memory_space<vmem>> -> memref<1x2x512xi32, #tpu.memory_space<vmem>>
    %dma_wait3A_17 = tpu.memref_squeeze %dma_wait3A_16 : memref<1x2x512xi32, #tpu.memory_space<vmem>> -> memref<2x512xi32, #tpu.memory_space<vmem>>
    %dma_wait3A_18 = arith.constant 0 : i32
    %dma_wait3A_19 = tpu.memref_slice %dma_wait3A_17[%dma_wait3A_9, %dma_wait3A_18] : memref<2x512xi32, #tpu.memory_space<vmem>> -> memref<1x512xi32, #tpu.memory_space<vmem>>
    %dma_wait3A_20 = tpu.memref_squeeze %dma_wait3A_19 : memref<1x512xi32, #tpu.memory_space<vmem>> -> memref<512xi32, #tpu.memory_space<vmem>>
    %dma_wait3A_21 = arith.constant 0 : i32
    %dma_wait3A_22 = arith.constant 0 : i32
    %dma_wait3A_23 = tpu.memref_slice %arg8[%dma_wait3A_21, %dma_wait3A_22] : memref<100352x16xf32, #tpu.memory_space<vmem_shared>> -> memref<100352x16xf32, #tpu.memory_space<vmem_shared>>
    tpu.wait_indirect_dma semaphore(%arg10 : memref<!tpu.dma_semaphore, #tpu.memory_space<semaphore_mem>>) src(%dma_wait3A_13 : memref<512x16xf32, #tpu.memory_space<vmem>>) dst(%dma_wait3A_23 : memref<100352x16xf32, #tpu.memory_space<vmem_shared>>)
    %dma_wait3A_24 = arith.constant 1 : i32
    %dma_wait3A_25 = arith.constant 1 : i32
    %dma_wait3A_26 = arith.constant 1 : i32
    %dma_wait3A_27 = arith.constant 0 : i32
    %dma_wait3A_28 = arith.constant 0 : i32
    %dma_wait3A_29 = tpu.memref_slice %arg7[%dma_wait3A_24, %dma_wait3A_27, %dma_wait3A_28] : memref<2x512x16xf32, #tpu.memory_space<vmem>> -> memref<1x512x16xf32, #tpu.memory_space<vmem>>
    %dma_wait3A_30 = tpu.memref_squeeze %dma_wait3A_29 : memref<1x512x16xf32, #tpu.memory_space<vmem>> -> memref<512x16xf32, #tpu.memory_space<vmem>>
    %dma_wait3A_31 = arith.constant 0 : i32
    %dma_wait3A_32 = arith.constant 0 : i32
    %dma_wait3A_33 = tpu.memref_slice %arg6[%dma_wait3A_25, %dma_wait3A_31, %dma_wait3A_32] : memref<3x2x512xi32, #tpu.memory_space<vmem>> -> memref<1x2x512xi32, #tpu.memory_space<vmem>>
    %dma_wait3A_34 = tpu.memref_squeeze %dma_wait3A_33 : memref<1x2x512xi32, #tpu.memory_space<vmem>> -> memref<2x512xi32, #tpu.memory_space<vmem>>
    %dma_wait3A_35 = arith.constant 0 : i32
    %dma_wait3A_36 = tpu.memref_slice %dma_wait3A_34[%dma_wait3A_26, %dma_wait3A_35] : memref<2x512xi32, #tpu.memory_space<vmem>> -> memref<1x512xi32, #tpu.memory_space<vmem>>
    %dma_wait3A_37 = tpu.memref_squeeze %dma_wait3A_36 : memref<1x512xi32, #tpu.memory_space<vmem>> -> memref<512xi32, #tpu.memory_space<vmem>>
    %dma_wait3A_38 = arith.constant 0 : i32
    %dma_wait3A_39 = arith.constant 0 : i32
    %dma_wait3A_40 = tpu.memref_slice %arg8[%dma_wait3A_38, %dma_wait3A_39] : memref<100352x16xf32, #tpu.memory_space<vmem_shared>> -> memref<100352x16xf32, #tpu.memory_space<vmem_shared>>
    tpu.wait_indirect_dma semaphore(%arg10 : memref<!tpu.dma_semaphore, #tpu.memory_space<semaphore_mem>>) src(%dma_wait3A_30 : memref<512x16xf32, #tpu.memory_space<vmem>>) dst(%dma_wait3A_40 : memref<100352x16xf32, #tpu.memory_space<vmem_shared>>)
    %barrier3A_41 = arith.constant 0 : index
    tpu.barrier barrier_id(%barrier3A_41)
    "tpu.region"() ({
      %run_scoped3A_42 = tpu.sem_alloc : memref<!tpu.dma_semaphore, #tpu.memory_space<semaphore_mem>>
      %dma_start3A = arith.constant 0 : i32
      %dma_start3A_43 = tpu.memref_slice %arg5[%arg0, %mul3A_0, %dma_start3A] : memref<2x100352x16xf32, #tpu.memory_space<hbm>> -> memref<1x6272x16xf32, #tpu.memory_space<hbm>>
      %dma_start3A_44 = tpu.memref_squeeze %dma_start3A_43 : memref<1x6272x16xf32, #tpu.memory_space<hbm>> -> memref<6272x16xf32, #tpu.memory_space<hbm>>
      %dma_start3A_45 = arith.constant 0 : i32
      %dma_start3A_46 = tpu.memref_slice %arg8[%mul3A_0, %dma_start3A_45] : memref<100352x16xf32, #tpu.memory_space<vmem_shared>> -> memref<6272x16xf32, #tpu.memory_space<vmem_shared>>
      tpu.enqueue_dma source(%dma_start3A_46 : memref<6272x16xf32, #tpu.memory_space<vmem_shared>>) target(%dma_start3A_44 : memref<6272x16xf32, #tpu.memory_space<hbm>>) target_semaphore(%run_scoped3A_42 : memref<!tpu.dma_semaphore, #tpu.memory_space<semaphore_mem>>)
      %dma_wait3A_47 = arith.constant 0 : i32
      %dma_wait3A_48 = tpu.memref_slice %arg5[%arg0, %mul3A_0, %dma_wait3A_47] : memref<2x100352x16xf32, #tpu.memory_space<hbm>> -> memref<1x6272x16xf32, #tpu.memory_space<hbm>>
      %dma_wait3A_49 = tpu.memref_squeeze %dma_wait3A_48 : memref<1x6272x16xf32, #tpu.memory_space<hbm>> -> memref<6272x16xf32, #tpu.memory_space<hbm>>
      %dma_wait3A_50 = arith.constant 0 : i32
      %dma_wait3A_51 = tpu.memref_slice %arg8[%mul3A_0, %dma_wait3A_50] : memref<100352x16xf32, #tpu.memory_space<vmem_shared>> -> memref<6272x16xf32, #tpu.memory_space<vmem_shared>>
      tpu.wait_dma2 semaphore(%run_scoped3A_42 : memref<!tpu.dma_semaphore, #tpu.memory_space<semaphore_mem>>) src(%dma_wait3A_51 : memref<6272x16xf32, #tpu.memory_space<vmem_shared>>) dst(%dma_wait3A_49 : memref<6272x16xf32, #tpu.memory_space<hbm>>)
      tpu.yield
    }) : () -> ()
    return
  }
}

#map = affine_map<(d0, d1) -> (0)>
#map1 = affine_map<(d0, d1) -> (0, 0)>
#map2 = affine_map<(d0, d1) -> (0, 0, 0)>
module attributes {stable_mosaic.version = 14 : i64} {
  func.func @_sc_deg(%arg0: i32, %arg1: i32, %arg2: memref<1638400xi32, #tpu.memory_space<hbm>>, %arg3: memref<102400xi32, #tpu.memory_space<hbm>>, %arg4: memref<512x16xf32, #tpu.memory_space<hbm>>, %arg5: memref<100352x16xf32, #tpu.memory_space<hbm>>, %arg6: memref<2x100352x16xf32, #tpu.memory_space<hbm>>, %arg7: memref<2x520x16xf32, #tpu.memory_space<hbm>>, %arg8: memref<512xi32, #tpu.memory_space<vmem>>, %arg9: memref<128xi32, #tpu.memory_space<vmem>>, %arg10: memref<512x16xf32, #tpu.memory_space<vmem>>, %arg11: memref<100352x16xf32, #tpu.memory_space<vmem_shared>>, %arg12: memref<520x16xf32, #tpu.memory_space<vmem_shared>>) attributes {dimension_semantics = [#tpu.dimension_semantics<core_parallel>, #tpu.dimension_semantics<subcore_parallel>], iteration_bounds = array<i64: 2, 16>, scalar_prefetch = 0 : i64, scratch_operands = 5 : i64, tpu.core_type = #tpu.core_type<sc_vector_subcore>, window_params = [{transform_indices = #map}, {transform_indices = #map}, {transform_indices = #map1}, {transform_indices = #map1}, {transform_indices = #map2}, {transform_indices = #map2}]} {
    %mul3A = arith.constant 16 : i32
    %mul3A_0 = arith.muli %arg0, %mul3A : i32
    %add3A = arith.addi %mul3A_0, %arg1 : i32
    %mul3A_1 = arith.constant 6272 : i32
    %mul3A_2 = arith.muli %arg1, %mul3A_1 : i32
    "tpu.region"() ({
      %run_scoped3A = tpu.sem_alloc : memref<!tpu.dma_semaphore, #tpu.memory_space<semaphore_mem>>
      %dma_start3A = arith.constant 0 : i32
      %dma_start3A_22 = tpu.memref_slice %arg11[%mul3A_2, %dma_start3A] : memref<100352x16xf32, #tpu.memory_space<vmem_shared>> -> memref<6272x16xf32, #tpu.memory_space<vmem_shared>>
      %dma_start3A_23 = arith.constant 0 : i32
      %dma_start3A_24 = tpu.memref_slice %arg5[%mul3A_2, %dma_start3A_23] : memref<100352x16xf32, #tpu.memory_space<hbm>> -> memref<6272x16xf32, #tpu.memory_space<hbm>>
      tpu.enqueue_dma source(%dma_start3A_24 : memref<6272x16xf32, #tpu.memory_space<hbm>>) target(%dma_start3A_22 : memref<6272x16xf32, #tpu.memory_space<vmem_shared>>) target_semaphore(%run_scoped3A : memref<!tpu.dma_semaphore, #tpu.memory_space<semaphore_mem>>)
      %dma_wait3A = arith.constant 0 : i32
      %dma_wait3A_25 = tpu.memref_slice %arg11[%mul3A_2, %dma_wait3A] : memref<100352x16xf32, #tpu.memory_space<vmem_shared>> -> memref<6272x16xf32, #tpu.memory_space<vmem_shared>>
      %dma_wait3A_26 = arith.constant 0 : i32
      %dma_wait3A_27 = tpu.memref_slice %arg5[%mul3A_2, %dma_wait3A_26] : memref<100352x16xf32, #tpu.memory_space<hbm>> -> memref<6272x16xf32, #tpu.memory_space<hbm>>
      tpu.wait_dma2 semaphore(%run_scoped3A : memref<!tpu.dma_semaphore, #tpu.memory_space<semaphore_mem>>) src(%dma_wait3A_27 : memref<6272x16xf32, #tpu.memory_space<hbm>>) dst(%dma_wait3A_25 : memref<6272x16xf32, #tpu.memory_space<vmem_shared>>)
      tpu.yield
    }) : () -> ()
    %eq3A = arith.constant 0 : i32
    %eq3A_3 = arith.cmpi eq, %arg1, %eq3A : i32
    %convert_element_type3A = arith.extui %eq3A_3 : i1 to i32
    %cond3A = arith.constant 0 : i32
    %cond3A_4 = arith.cmpi ne, %convert_element_type3A, %cond3A : i32
    scf.if %cond3A_4 {
      "tpu.region"() ({
        %run_scoped3A = tpu.sem_alloc : memref<!tpu.dma_semaphore, #tpu.memory_space<semaphore_mem>>
        %dma_start3A = arith.constant 0 : i32
        %dma_start3A_22 = arith.constant 0 : i32
        %dma_start3A_23 = tpu.memref_slice %arg5[%dma_start3A, %dma_start3A_22] : memref<100352x16xf32, #tpu.memory_space<hbm>> -> memref<520x16xf32, #tpu.memory_space<hbm>>
        tpu.enqueue_dma source(%dma_start3A_23 : memref<520x16xf32, #tpu.memory_space<hbm>>) target(%arg12 : memref<520x16xf32, #tpu.memory_space<vmem_shared>>) target_semaphore(%run_scoped3A : memref<!tpu.dma_semaphore, #tpu.memory_space<semaphore_mem>>)
        %dma_wait3A = arith.constant 0 : i32
        %dma_wait3A_24 = arith.constant 0 : i32
        %dma_wait3A_25 = tpu.memref_slice %arg5[%dma_wait3A, %dma_wait3A_24] : memref<100352x16xf32, #tpu.memory_space<hbm>> -> memref<520x16xf32, #tpu.memory_space<hbm>>
        tpu.wait_dma2 semaphore(%run_scoped3A : memref<!tpu.dma_semaphore, #tpu.memory_space<semaphore_mem>>) src(%dma_wait3A_25 : memref<520x16xf32, #tpu.memory_space<hbm>>) dst(%arg12 : memref<520x16xf32, #tpu.memory_space<vmem_shared>>)
        tpu.yield
      }) : () -> ()
    } else {
    }
    "tpu.region"() ({
      %run_scoped3A = tpu.sem_alloc : memref<!tpu.dma_semaphore, #tpu.memory_space<semaphore_mem>>
      tpu.enqueue_dma source(%arg4 : memref<512x16xf32, #tpu.memory_space<hbm>>) target(%arg10 : memref<512x16xf32, #tpu.memory_space<vmem>>) target_semaphore(%run_scoped3A : memref<!tpu.dma_semaphore, #tpu.memory_space<semaphore_mem>>)
      tpu.wait_dma2 semaphore(%run_scoped3A : memref<!tpu.dma_semaphore, #tpu.memory_space<semaphore_mem>>) src(%arg4 : memref<512x16xf32, #tpu.memory_space<hbm>>) dst(%arg10 : memref<512x16xf32, #tpu.memory_space<vmem>>)
      tpu.yield
    }) : () -> ()
    %barrier3A = arith.constant 0 : index
    tpu.barrier barrier_id(%barrier3A)
    %scan3A = arith.constant 0 : i32
    %scan3A_5 = arith.constant 0 : i32
    %scan3A_6 = arith.constant 100 : i32
    %scan3A_7 = arith.addi %scan3A_5, %scan3A_6 : i32
    %scan3A_8 = arith.constant 1 : i32
    scf.for %scan3A_22 = %scan3A_5 to %scan3A_7 step %scan3A_8  : i32 {
      %mul3A_23 = arith.constant 51200 : i32
      %mul3A_24 = arith.muli %add3A, %mul3A_23 : i32
      %mul3A_25 = arith.constant 512 : i32
      %mul3A_26 = arith.muli %scan3A_22, %mul3A_25 : i32
      %add3A_27 = arith.addi %mul3A_24, %mul3A_26 : i32
      "tpu.region"() ({
        %run_scoped3A = tpu.sem_alloc : memref<!tpu.dma_semaphore, #tpu.memory_space<semaphore_mem>>
        %dma_start3A = tpu.memref_slice %arg2[%add3A_27] : memref<1638400xi32, #tpu.memory_space<hbm>> -> memref<512xi32, #tpu.memory_space<hbm>>
        %dma_start3A_28 = tpu.memref_slice %arg2[%add3A_27] : memref<1638400xi32, #tpu.memory_space<hbm>> -> memref<512xi32, #tpu.memory_space<hbm>>
        tpu.enqueue_dma source(%dma_start3A_28 : memref<512xi32, #tpu.memory_space<hbm>>) target(%arg8 : memref<512xi32, #tpu.memory_space<vmem>>) target_semaphore(%run_scoped3A : memref<!tpu.dma_semaphore, #tpu.memory_space<semaphore_mem>>)
        %dma_wait3A = tpu.memref_slice %arg2[%add3A_27] : memref<1638400xi32, #tpu.memory_space<hbm>> -> memref<512xi32, #tpu.memory_space<hbm>>
        %dma_wait3A_29 = tpu.memref_slice %arg2[%add3A_27] : memref<1638400xi32, #tpu.memory_space<hbm>> -> memref<512xi32, #tpu.memory_space<hbm>>
        tpu.wait_dma2 semaphore(%run_scoped3A : memref<!tpu.dma_semaphore, #tpu.memory_space<semaphore_mem>>) src(%dma_wait3A_29 : memref<512xi32, #tpu.memory_space<hbm>>) dst(%arg8 : memref<512xi32, #tpu.memory_space<vmem>>)
        tpu.yield
      }) : () -> ()
      "tpu.region"() ({
        %run_scoped3A = tpu.sem_alloc : memref<!tpu.dma_semaphore, #tpu.memory_space<semaphore_mem>>
        %dma_start3A = arith.constant 0 : i32
        %dma_start3A_28 = arith.constant 0 : i32
        %dma_start3A_29 = tpu.memref_slice %arg11[%dma_start3A, %dma_start3A_28] : memref<100352x16xf32, #tpu.memory_space<vmem_shared>> -> memref<100352x16xf32, #tpu.memory_space<vmem_shared>>
        tpu.enqueue_indirect_dma source(%arg10 : memref<512x16xf32, #tpu.memory_space<vmem>>) target(%dma_start3A_29 : memref<100352x16xf32, #tpu.memory_space<vmem_shared>>) offsets(%arg8 : memref<512xi32, #tpu.memory_space<vmem>>) semaphore(%run_scoped3A : memref<!tpu.dma_semaphore, #tpu.memory_space<semaphore_mem>>) {add = true}
        %dma_wait3A = arith.constant 0 : i32
        %dma_wait3A_30 = arith.constant 0 : i32
        %dma_wait3A_31 = tpu.memref_slice %arg11[%dma_wait3A, %dma_wait3A_30] : memref<100352x16xf32, #tpu.memory_space<vmem_shared>> -> memref<100352x16xf32, #tpu.memory_space<vmem_shared>>
        tpu.wait_indirect_dma semaphore(%run_scoped3A : memref<!tpu.dma_semaphore, #tpu.memory_space<semaphore_mem>>) src(%arg10 : memref<512x16xf32, #tpu.memory_space<vmem>>) dst(%dma_wait3A_31 : memref<100352x16xf32, #tpu.memory_space<vmem_shared>>)
        tpu.yield
      }) : () -> ()
    }
    %scan3A_9 = arith.constant 100 : i32
    %scan3A_10 = arith.constant 0 : i32
    %scan3A_11 = arith.constant 0 : i32
    %scan3A_12 = arith.constant 25 : i32
    %scan3A_13 = arith.addi %scan3A_11, %scan3A_12 : i32
    %scan3A_14 = arith.constant 1 : i32
    scf.for %scan3A_22 = %scan3A_11 to %scan3A_13 step %scan3A_14  : i32 {
      %mul3A_23 = arith.constant 3200 : i32
      %mul3A_24 = arith.muli %add3A, %mul3A_23 : i32
      %mul3A_25 = arith.constant 128 : i32
      %mul3A_26 = arith.muli %scan3A_22, %mul3A_25 : i32
      %add3A_27 = arith.addi %mul3A_24, %mul3A_26 : i32
      "tpu.region"() ({
        %run_scoped3A = tpu.sem_alloc : memref<!tpu.dma_semaphore, #tpu.memory_space<semaphore_mem>>
        %dma_start3A = tpu.memref_slice %arg3[%add3A_27] : memref<102400xi32, #tpu.memory_space<hbm>> -> memref<128xi32, #tpu.memory_space<hbm>>
        %dma_start3A_28 = tpu.memref_slice %arg3[%add3A_27] : memref<102400xi32, #tpu.memory_space<hbm>> -> memref<128xi32, #tpu.memory_space<hbm>>
        tpu.enqueue_dma source(%dma_start3A_28 : memref<128xi32, #tpu.memory_space<hbm>>) target(%arg9 : memref<128xi32, #tpu.memory_space<vmem>>) target_semaphore(%run_scoped3A : memref<!tpu.dma_semaphore, #tpu.memory_space<semaphore_mem>>)
        %dma_wait3A = tpu.memref_slice %arg3[%add3A_27] : memref<102400xi32, #tpu.memory_space<hbm>> -> memref<128xi32, #tpu.memory_space<hbm>>
        %dma_wait3A_29 = tpu.memref_slice %arg3[%add3A_27] : memref<102400xi32, #tpu.memory_space<hbm>> -> memref<128xi32, #tpu.memory_space<hbm>>
        tpu.wait_dma2 semaphore(%run_scoped3A : memref<!tpu.dma_semaphore, #tpu.memory_space<semaphore_mem>>) src(%dma_wait3A_29 : memref<128xi32, #tpu.memory_space<hbm>>) dst(%arg9 : memref<128xi32, #tpu.memory_space<vmem>>)
        tpu.yield
      }) : () -> ()
      "tpu.region"() ({
        %run_scoped3A = tpu.sem_alloc : memref<!tpu.dma_semaphore, #tpu.memory_space<semaphore_mem>>
        %dma_start3A = arith.constant 0 : i32
        %dma_start3A_28 = arith.constant 0 : i32
        %dma_start3A_29 = tpu.memref_slice %arg10[%dma_start3A, %dma_start3A_28] : memref<512x16xf32, #tpu.memory_space<vmem>> -> memref<128x16xf32, #tpu.memory_space<vmem>>
        %dma_start3A_30 = arith.constant 0 : i32
        %dma_start3A_31 = arith.constant 0 : i32
        %dma_start3A_32 = tpu.memref_slice %arg12[%dma_start3A_30, %dma_start3A_31] : memref<520x16xf32, #tpu.memory_space<vmem_shared>> -> memref<520x16xf32, #tpu.memory_space<vmem_shared>>
        tpu.enqueue_indirect_dma source(%dma_start3A_29 : memref<128x16xf32, #tpu.memory_space<vmem>>) target(%dma_start3A_32 : memref<520x16xf32, #tpu.memory_space<vmem_shared>>) offsets(%arg9 : memref<128xi32, #tpu.memory_space<vmem>>) semaphore(%run_scoped3A : memref<!tpu.dma_semaphore, #tpu.memory_space<semaphore_mem>>) {add = true}
        %dma_wait3A = arith.constant 0 : i32
        %dma_wait3A_33 = arith.constant 0 : i32
        %dma_wait3A_34 = tpu.memref_slice %arg10[%dma_wait3A, %dma_wait3A_33] : memref<512x16xf32, #tpu.memory_space<vmem>> -> memref<128x16xf32, #tpu.memory_space<vmem>>
        %dma_wait3A_35 = arith.constant 0 : i32
        %dma_wait3A_36 = arith.constant 0 : i32
        %dma_wait3A_37 = tpu.memref_slice %arg12[%dma_wait3A_35, %dma_wait3A_36] : memref<520x16xf32, #tpu.memory_space<vmem_shared>> -> memref<520x16xf32, #tpu.memory_space<vmem_shared>>
        tpu.wait_indirect_dma semaphore(%run_scoped3A : memref<!tpu.dma_semaphore, #tpu.memory_space<semaphore_mem>>) src(%dma_wait3A_34 : memref<128x16xf32, #tpu.memory_space<vmem>>) dst(%dma_wait3A_37 : memref<520x16xf32, #tpu.memory_space<vmem_shared>>)
        tpu.yield
      }) : () -> ()
    }
    %scan3A_15 = arith.constant 25 : i32
    %barrier3A_16 = arith.constant 0 : index
    tpu.barrier barrier_id(%barrier3A_16)
    "tpu.region"() ({
      %run_scoped3A = tpu.sem_alloc : memref<!tpu.dma_semaphore, #tpu.memory_space<semaphore_mem>>
      %dma_start3A = arith.constant 0 : i32
      %dma_start3A_22 = tpu.memref_slice %arg6[%arg0, %mul3A_2, %dma_start3A] : memref<2x100352x16xf32, #tpu.memory_space<hbm>> -> memref<1x6272x16xf32, #tpu.memory_space<hbm>>
      %dma_start3A_23 = tpu.memref_squeeze %dma_start3A_22 : memref<1x6272x16xf32, #tpu.memory_space<hbm>> -> memref<6272x16xf32, #tpu.memory_space<hbm>>
      %dma_start3A_24 = arith.constant 0 : i32
      %dma_start3A_25 = tpu.memref_slice %arg11[%mul3A_2, %dma_start3A_24] : memref<100352x16xf32, #tpu.memory_space<vmem_shared>> -> memref<6272x16xf32, #tpu.memory_space<vmem_shared>>
      tpu.enqueue_dma source(%dma_start3A_25 : memref<6272x16xf32, #tpu.memory_space<vmem_shared>>) target(%dma_start3A_23 : memref<6272x16xf32, #tpu.memory_space<hbm>>) target_semaphore(%run_scoped3A : memref<!tpu.dma_semaphore, #tpu.memory_space<semaphore_mem>>)
      %dma_wait3A = arith.constant 0 : i32
      %dma_wait3A_26 = tpu.memref_slice %arg6[%arg0, %mul3A_2, %dma_wait3A] : memref<2x100352x16xf32, #tpu.memory_space<hbm>> -> memref<1x6272x16xf32, #tpu.memory_space<hbm>>
      %dma_wait3A_27 = tpu.memref_squeeze %dma_wait3A_26 : memref<1x6272x16xf32, #tpu.memory_space<hbm>> -> memref<6272x16xf32, #tpu.memory_space<hbm>>
      %dma_wait3A_28 = arith.constant 0 : i32
      %dma_wait3A_29 = tpu.memref_slice %arg11[%mul3A_2, %dma_wait3A_28] : memref<100352x16xf32, #tpu.memory_space<vmem_shared>> -> memref<6272x16xf32, #tpu.memory_space<vmem_shared>>
      tpu.wait_dma2 semaphore(%run_scoped3A : memref<!tpu.dma_semaphore, #tpu.memory_space<semaphore_mem>>) src(%dma_wait3A_29 : memref<6272x16xf32, #tpu.memory_space<vmem_shared>>) dst(%dma_wait3A_27 : memref<6272x16xf32, #tpu.memory_space<hbm>>)
      tpu.yield
    }) : () -> ()
    %eq3A_17 = arith.constant 0 : i32
    %eq3A_18 = arith.cmpi eq, %arg1, %eq3A_17 : i32
    %convert_element_type3A_19 = arith.extui %eq3A_18 : i1 to i32
    %cond3A_20 = arith.constant 0 : i32
    %cond3A_21 = arith.cmpi ne, %convert_element_type3A_19, %cond3A_20 : i32
    scf.if %cond3A_21 {
      "tpu.region"() ({
        %run_scoped3A = tpu.sem_alloc : memref<!tpu.dma_semaphore, #tpu.memory_space<semaphore_mem>>
        %dma_start3A = arith.constant 0 : i32
        %dma_start3A_22 = arith.constant 0 : i32
        %dma_start3A_23 = tpu.memref_slice %arg7[%arg0, %dma_start3A, %dma_start3A_22] : memref<2x520x16xf32, #tpu.memory_space<hbm>> -> memref<1x520x16xf32, #tpu.memory_space<hbm>>
        %dma_start3A_24 = tpu.memref_squeeze %dma_start3A_23 : memref<1x520x16xf32, #tpu.memory_space<hbm>> -> memref<520x16xf32, #tpu.memory_space<hbm>>
        tpu.enqueue_dma source(%arg12 : memref<520x16xf32, #tpu.memory_space<vmem_shared>>) target(%dma_start3A_24 : memref<520x16xf32, #tpu.memory_space<hbm>>) target_semaphore(%run_scoped3A : memref<!tpu.dma_semaphore, #tpu.memory_space<semaphore_mem>>)
        %dma_wait3A = arith.constant 0 : i32
        %dma_wait3A_25 = arith.constant 0 : i32
        %dma_wait3A_26 = tpu.memref_slice %arg7[%arg0, %dma_wait3A, %dma_wait3A_25] : memref<2x520x16xf32, #tpu.memory_space<hbm>> -> memref<1x520x16xf32, #tpu.memory_space<hbm>>
        %dma_wait3A_27 = tpu.memref_squeeze %dma_wait3A_26 : memref<1x520x16xf32, #tpu.memory_space<hbm>> -> memref<520x16xf32, #tpu.memory_space<hbm>>
        tpu.wait_dma2 semaphore(%run_scoped3A : memref<!tpu.dma_semaphore, #tpu.memory_space<semaphore_mem>>) src(%arg12 : memref<520x16xf32, #tpu.memory_space<vmem_shared>>) dst(%dma_wait3A_27 : memref<520x16xf32, #tpu.memory_space<hbm>>)
        tpu.yield
      }) : () -> ()
    } else {
    }
    return
  }
}

#map = affine_map<(d0, d1) -> (0, 0, 0)>
#map1 = affine_map<(d0, d1) -> (0)>
#map2 = affine_map<(d0, d1) -> (0, 0)>
module attributes {stable_mosaic.version = 14 : i64} {
  func.func @_sc_pool(%arg0: i32, %arg1: i32, %arg2: memref<2x100352x16xf32, #tpu.memory_space<hbm>>, %arg3: memref<100352xi32, #tpu.memory_space<hbm>>, %arg4: memref<520x16xf32, #tpu.memory_space<hbm>>, %arg5: memref<2x520x16xf32, #tpu.memory_space<hbm>>, %arg6: memref<6272x16xf32, #tpu.memory_space<vmem>>, %arg7: memref<6272xi32, #tpu.memory_space<vmem>>, %arg8: memref<520x16xf32, #tpu.memory_space<vmem_shared>>) attributes {dimension_semantics = [#tpu.dimension_semantics<core_parallel>, #tpu.dimension_semantics<subcore_parallel>], iteration_bounds = array<i64: 2, 16>, scalar_prefetch = 0 : i64, scratch_operands = 3 : i64, tpu.core_type = #tpu.core_type<sc_vector_subcore>, window_params = [{transform_indices = #map}, {transform_indices = #map1}, {transform_indices = #map2}, {transform_indices = #map}]} {
    %eq3A = arith.constant 0 : i32
    %eq3A_0 = arith.cmpi eq, %arg1, %eq3A : i32
    %convert_element_type3A = arith.extui %eq3A_0 : i1 to i32
    %cond3A = arith.constant 0 : i32
    %cond3A_1 = arith.cmpi ne, %convert_element_type3A, %cond3A : i32
    scf.if %cond3A_1 {
      "tpu.region"() ({
        %run_scoped3A = tpu.sem_alloc : memref<!tpu.dma_semaphore, #tpu.memory_space<semaphore_mem>>
        tpu.enqueue_dma source(%arg4 : memref<520x16xf32, #tpu.memory_space<hbm>>) target(%arg8 : memref<520x16xf32, #tpu.memory_space<vmem_shared>>) target_semaphore(%run_scoped3A : memref<!tpu.dma_semaphore, #tpu.memory_space<semaphore_mem>>)
        tpu.wait_dma2 semaphore(%run_scoped3A : memref<!tpu.dma_semaphore, #tpu.memory_space<semaphore_mem>>) src(%arg4 : memref<520x16xf32, #tpu.memory_space<hbm>>) dst(%arg8 : memref<520x16xf32, #tpu.memory_space<vmem_shared>>)
        tpu.yield
      }) : () -> ()
    } else {
    }
    %barrier3A = arith.constant 0 : index
    tpu.barrier barrier_id(%barrier3A)
    %mul3A = arith.constant 6272 : i32
    %mul3A_2 = arith.muli %arg1, %mul3A : i32
    "tpu.region"() ({
      %run_scoped3A = tpu.sem_alloc : memref<!tpu.dma_semaphore, #tpu.memory_space<semaphore_mem>>
      %dma_start3A = arith.constant 0 : i32
      %dma_start3A_11 = tpu.memref_slice %arg2[%arg0, %mul3A_2, %dma_start3A] : memref<2x100352x16xf32, #tpu.memory_space<hbm>> -> memref<1x6272x16xf32, #tpu.memory_space<hbm>>
      %dma_start3A_12 = tpu.memref_squeeze %dma_start3A_11 : memref<1x6272x16xf32, #tpu.memory_space<hbm>> -> memref<6272x16xf32, #tpu.memory_space<hbm>>
      %dma_start3A_13 = arith.constant 0 : i32
      %dma_start3A_14 = tpu.memref_slice %arg2[%arg0, %mul3A_2, %dma_start3A_13] : memref<2x100352x16xf32, #tpu.memory_space<hbm>> -> memref<1x6272x16xf32, #tpu.memory_space<hbm>>
      %dma_start3A_15 = tpu.memref_squeeze %dma_start3A_14 : memref<1x6272x16xf32, #tpu.memory_space<hbm>> -> memref<6272x16xf32, #tpu.memory_space<hbm>>
      tpu.enqueue_dma source(%dma_start3A_15 : memref<6272x16xf32, #tpu.memory_space<hbm>>) target(%arg6 : memref<6272x16xf32, #tpu.memory_space<vmem>>) target_semaphore(%run_scoped3A : memref<!tpu.dma_semaphore, #tpu.memory_space<semaphore_mem>>)
      %dma_wait3A = arith.constant 0 : i32
      %dma_wait3A_16 = tpu.memref_slice %arg2[%arg0, %mul3A_2, %dma_wait3A] : memref<2x100352x16xf32, #tpu.memory_space<hbm>> -> memref<1x6272x16xf32, #tpu.memory_space<hbm>>
      %dma_wait3A_17 = tpu.memref_squeeze %dma_wait3A_16 : memref<1x6272x16xf32, #tpu.memory_space<hbm>> -> memref<6272x16xf32, #tpu.memory_space<hbm>>
      %dma_wait3A_18 = arith.constant 0 : i32
      %dma_wait3A_19 = tpu.memref_slice %arg2[%arg0, %mul3A_2, %dma_wait3A_18] : memref<2x100352x16xf32, #tpu.memory_space<hbm>> -> memref<1x6272x16xf32, #tpu.memory_space<hbm>>
      %dma_wait3A_20 = tpu.memref_squeeze %dma_wait3A_19 : memref<1x6272x16xf32, #tpu.memory_space<hbm>> -> memref<6272x16xf32, #tpu.memory_space<hbm>>
      tpu.wait_dma2 semaphore(%run_scoped3A : memref<!tpu.dma_semaphore, #tpu.memory_space<semaphore_mem>>) src(%dma_wait3A_20 : memref<6272x16xf32, #tpu.memory_space<hbm>>) dst(%arg6 : memref<6272x16xf32, #tpu.memory_space<vmem>>)
      tpu.yield
    }) : () -> ()
    %mul3A_3 = arith.constant 6272 : i32
    %mul3A_4 = arith.muli %arg1, %mul3A_3 : i32
    "tpu.region"() ({
      %run_scoped3A = tpu.sem_alloc : memref<!tpu.dma_semaphore, #tpu.memory_space<semaphore_mem>>
      %dma_start3A = tpu.memref_slice %arg3[%mul3A_4] : memref<100352xi32, #tpu.memory_space<hbm>> -> memref<6272xi32, #tpu.memory_space<hbm>>
      %dma_start3A_11 = tpu.memref_slice %arg3[%mul3A_4] : memref<100352xi32, #tpu.memory_space<hbm>> -> memref<6272xi32, #tpu.memory_space<hbm>>
      tpu.enqueue_dma source(%dma_start3A_11 : memref<6272xi32, #tpu.memory_space<hbm>>) target(%arg7 : memref<6272xi32, #tpu.memory_space<vmem>>) target_semaphore(%run_scoped3A : memref<!tpu.dma_semaphore, #tpu.memory_space<semaphore_mem>>)
      %dma_wait3A = tpu.memref_slice %arg3[%mul3A_4] : memref<100352xi32, #tpu.memory_space<hbm>> -> memref<6272xi32, #tpu.memory_space<hbm>>
      %dma_wait3A_12 = tpu.memref_slice %arg3[%mul3A_4] : memref<100352xi32, #tpu.memory_space<hbm>> -> memref<6272xi32, #tpu.memory_space<hbm>>
      tpu.wait_dma2 semaphore(%run_scoped3A : memref<!tpu.dma_semaphore, #tpu.memory_space<semaphore_mem>>) src(%dma_wait3A_12 : memref<6272xi32, #tpu.memory_space<hbm>>) dst(%arg7 : memref<6272xi32, #tpu.memory_space<vmem>>)
      tpu.yield
    }) : () -> ()
    "tpu.region"() ({
      %run_scoped3A = tpu.sem_alloc : memref<!tpu.dma_semaphore, #tpu.memory_space<semaphore_mem>>
      %dma_start3A = arith.constant 0 : i32
      %dma_start3A_11 = arith.constant 0 : i32
      %dma_start3A_12 = tpu.memref_slice %arg8[%dma_start3A, %dma_start3A_11] : memref<520x16xf32, #tpu.memory_space<vmem_shared>> -> memref<520x16xf32, #tpu.memory_space<vmem_shared>>
      tpu.enqueue_indirect_dma source(%arg6 : memref<6272x16xf32, #tpu.memory_space<vmem>>) target(%dma_start3A_12 : memref<520x16xf32, #tpu.memory_space<vmem_shared>>) offsets(%arg7 : memref<6272xi32, #tpu.memory_space<vmem>>) semaphore(%run_scoped3A : memref<!tpu.dma_semaphore, #tpu.memory_space<semaphore_mem>>) {add = true}
      %dma_wait3A = arith.constant 0 : i32
      %dma_wait3A_13 = arith.constant 0 : i32
      %dma_wait3A_14 = tpu.memref_slice %arg8[%dma_wait3A, %dma_wait3A_13] : memref<520x16xf32, #tpu.memory_space<vmem_shared>> -> memref<520x16xf32, #tpu.memory_space<vmem_shared>>
      tpu.wait_indirect_dma semaphore(%run_scoped3A : memref<!tpu.dma_semaphore, #tpu.memory_space<semaphore_mem>>) src(%arg6 : memref<6272x16xf32, #tpu.memory_space<vmem>>) dst(%dma_wait3A_14 : memref<520x16xf32, #tpu.memory_space<vmem_shared>>)
      tpu.yield
    }) : () -> ()
    %barrier3A_5 = arith.constant 0 : index
    tpu.barrier barrier_id(%barrier3A_5)
    %eq3A_6 = arith.constant 0 : i32
    %eq3A_7 = arith.cmpi eq, %arg1, %eq3A_6 : i32
    %convert_element_type3A_8 = arith.extui %eq3A_7 : i1 to i32
    %cond3A_9 = arith.constant 0 : i32
    %cond3A_10 = arith.cmpi ne, %convert_element_type3A_8, %cond3A_9 : i32
    scf.if %cond3A_10 {
      "tpu.region"() ({
        %run_scoped3A = tpu.sem_alloc : memref<!tpu.dma_semaphore, #tpu.memory_space<semaphore_mem>>
        %dma_start3A = arith.constant 0 : i32
        %dma_start3A_11 = arith.constant 0 : i32
        %dma_start3A_12 = tpu.memref_slice %arg5[%arg0, %dma_start3A, %dma_start3A_11] : memref<2x520x16xf32, #tpu.memory_space<hbm>> -> memref<1x520x16xf32, #tpu.memory_space<hbm>>
        %dma_start3A_13 = tpu.memref_squeeze %dma_start3A_12 : memref<1x520x16xf32, #tpu.memory_space<hbm>> -> memref<520x16xf32, #tpu.memory_space<hbm>>
        tpu.enqueue_dma source(%arg8 : memref<520x16xf32, #tpu.memory_space<vmem_shared>>) target(%dma_start3A_13 : memref<520x16xf32, #tpu.memory_space<hbm>>) target_semaphore(%run_scoped3A : memref<!tpu.dma_semaphore, #tpu.memory_space<semaphore_mem>>)
        %dma_wait3A = arith.constant 0 : i32
        %dma_wait3A_14 = arith.constant 0 : i32
        %dma_wait3A_15 = tpu.memref_slice %arg5[%arg0, %dma_wait3A, %dma_wait3A_14] : memref<2x520x16xf32, #tpu.memory_space<hbm>> -> memref<1x520x16xf32, #tpu.memory_space<hbm>>
        %dma_wait3A_16 = tpu.memref_squeeze %dma_wait3A_15 : memref<1x520x16xf32, #tpu.memory_space<hbm>> -> memref<520x16xf32, #tpu.memory_space<hbm>>
        tpu.wait_dma2 semaphore(%run_scoped3A : memref<!tpu.dma_semaphore, #tpu.memory_space<semaphore_mem>>) src(%arg8 : memref<520x16xf32, #tpu.memory_space<vmem_shared>>) dst(%dma_wait3A_16 : memref<520x16xf32, #tpu.memory_space<hbm>>)
        tpu.yield
      }) : () -> ()
    } else {
    }
    return
  }
}

#map = affine_map<(d0, d1) -> (0, 0, 0)>
#map1 = affine_map<(d0, d1) -> (0, 0)>
module attributes {stable_mosaic.version = 14 : i64} {
  func.func @_sc_layer(%arg0: i32, %arg1: i32, %arg2: memref<2x100352x16xf32, #tpu.memory_space<hbm>>, %arg3: memref<3200x2x512xi32, #tpu.memory_space<hbm>>, %arg4: memref<100352x16xf32, #tpu.memory_space<hbm>>, %arg5: memref<2x100352x16xf32, #tpu.memory_space<hbm>>, %arg6: memref<3x2x512xi32, #tpu.memory_space<vmem>>, %arg7: memref<2x512x16xf32, #tpu.memory_space<vmem>>, %arg8: memref<100352x16xf32, #tpu.memory_space<vmem_shared>>, %arg9: memref<!tpu.dma_semaphore, #tpu.memory_space<semaphore_mem>>, %arg10: memref<!tpu.dma_semaphore, #tpu.memory_space<semaphore_mem>>, %arg11: memref<!tpu.dma_semaphore, #tpu.memory_space<semaphore_mem>>) attributes {dimension_semantics = [#tpu.dimension_semantics<core_parallel>, #tpu.dimension_semantics<subcore_parallel>], iteration_bounds = array<i64: 2, 16>, scalar_prefetch = 0 : i64, scratch_operands = 6 : i64, tpu.core_type = #tpu.core_type<sc_vector_subcore>, window_params = [{transform_indices = #map}, {transform_indices = #map}, {transform_indices = #map1}, {transform_indices = #map}]} {
    %mul3A = arith.constant 6272 : i32
    %mul3A_0 = arith.muli %arg1, %mul3A : i32
    "tpu.region"() ({
      %run_scoped3A_42 = tpu.sem_alloc : memref<!tpu.dma_semaphore, #tpu.memory_space<semaphore_mem>>
      %dma_start3A = arith.constant 0 : i32
      %dma_start3A_43 = tpu.memref_slice %arg8[%mul3A_0, %dma_start3A] : memref<100352x16xf32, #tpu.memory_space<vmem_shared>> -> memref<6272x16xf32, #tpu.memory_space<vmem_shared>>
      %dma_start3A_44 = arith.constant 0 : i32
      %dma_start3A_45 = tpu.memref_slice %arg4[%mul3A_0, %dma_start3A_44] : memref<100352x16xf32, #tpu.memory_space<hbm>> -> memref<6272x16xf32, #tpu.memory_space<hbm>>
      tpu.enqueue_dma source(%dma_start3A_45 : memref<6272x16xf32, #tpu.memory_space<hbm>>) target(%dma_start3A_43 : memref<6272x16xf32, #tpu.memory_space<vmem_shared>>) target_semaphore(%run_scoped3A_42 : memref<!tpu.dma_semaphore, #tpu.memory_space<semaphore_mem>>)
      %dma_wait3A_46 = arith.constant 0 : i32
      %dma_wait3A_47 = tpu.memref_slice %arg8[%mul3A_0, %dma_wait3A_46] : memref<100352x16xf32, #tpu.memory_space<vmem_shared>> -> memref<6272x16xf32, #tpu.memory_space<vmem_shared>>
      %dma_wait3A_48 = arith.constant 0 : i32
      %dma_wait3A_49 = tpu.memref_slice %arg4[%mul3A_0, %dma_wait3A_48] : memref<100352x16xf32, #tpu.memory_space<hbm>> -> memref<6272x16xf32, #tpu.memory_space<hbm>>
      tpu.wait_dma2 semaphore(%run_scoped3A_42 : memref<!tpu.dma_semaphore, #tpu.memory_space<semaphore_mem>>) src(%dma_wait3A_49 : memref<6272x16xf32, #tpu.memory_space<hbm>>) dst(%dma_wait3A_47 : memref<6272x16xf32, #tpu.memory_space<vmem_shared>>)
      tpu.yield
    }) : () -> ()
    %barrier3A = arith.constant 0 : index
    tpu.barrier barrier_id(%barrier3A)
    %mul3A_1 = arith.constant 200 : i32
    %mul3A_2 = arith.muli %arg1, %mul3A_1 : i32
    %run_scoped3A = arith.constant 0 : i32
    "tpu.region"() ({
      %run_scoped3A_42 = tpu.sem_alloc : memref<!tpu.dma_semaphore, #tpu.memory_space<semaphore_mem>>
      %dma_start3A = arith.constant 0 : i32
      %dma_start3A_43 = arith.constant 0 : i32
      %dma_start3A_44 = tpu.memref_slice %arg6[%run_scoped3A, %dma_start3A, %dma_start3A_43] : memref<3x2x512xi32, #tpu.memory_space<vmem>> -> memref<1x2x512xi32, #tpu.memory_space<vmem>>
      %dma_start3A_45 = tpu.memref_squeeze %dma_start3A_44 : memref<1x2x512xi32, #tpu.memory_space<vmem>> -> memref<2x512xi32, #tpu.memory_space<vmem>>
      %dma_start3A_46 = arith.constant 0 : i32
      %dma_start3A_47 = arith.constant 0 : i32
      %dma_start3A_48 = tpu.memref_slice %arg3[%mul3A_2, %dma_start3A_46, %dma_start3A_47] : memref<3200x2x512xi32, #tpu.memory_space<hbm>> -> memref<1x2x512xi32, #tpu.memory_space<hbm>>
      %dma_start3A_49 = tpu.memref_squeeze %dma_start3A_48 : memref<1x2x512xi32, #tpu.memory_space<hbm>> -> memref<2x512xi32, #tpu.memory_space<hbm>>
      %dma_start3A_50 = arith.constant 0 : i32
      %dma_start3A_51 = arith.constant 0 : i32
      %dma_start3A_52 = tpu.memref_slice %arg6[%run_scoped3A, %dma_start3A_50, %dma_start3A_51] : memref<3x2x512xi32, #tpu.memory_space<vmem>> -> memref<1x2x512xi32, #tpu.memory_space<vmem>>
      %dma_start3A_53 = tpu.memref_squeeze %dma_start3A_52 : memref<1x2x512xi32, #tpu.memory_space<vmem>> -> memref<2x512xi32, #tpu.memory_space<vmem>>
      %dma_start3A_54 = arith.constant 0 : i32
      %dma_start3A_55 = arith.constant 0 : i32
      %dma_start3A_56 = tpu.memref_slice %arg3[%mul3A_2, %dma_start3A_54, %dma_start3A_55] : memref<3200x2x512xi32, #tpu.memory_space<hbm>> -> memref<1x2x512xi32, #tpu.memory_space<hbm>>
      %dma_start3A_57 = tpu.memref_squeeze %dma_start3A_56 : memref<1x2x512xi32, #tpu.memory_space<hbm>> -> memref<2x512xi32, #tpu.memory_space<hbm>>
      tpu.enqueue_dma source(%dma_start3A_57 : memref<2x512xi32, #tpu.memory_space<hbm>>) target(%dma_start3A_53 : memref<2x512xi32, #tpu.memory_space<vmem>>) target_semaphore(%run_scoped3A_42 : memref<!tpu.dma_semaphore, #tpu.memory_space<semaphore_mem>>)
      %dma_wait3A_58 = arith.constant 0 : i32
      %dma_wait3A_59 = arith.constant 0 : i32
      %dma_wait3A_60 = tpu.memref_slice %arg6[%run_scoped3A, %dma_wait3A_58, %dma_wait3A_59] : memref<3x2x512xi32, #tpu.memory_space<vmem>> -> memref<1x2x512xi32, #tpu.memory_space<vmem>>
      %dma_wait3A_61 = tpu.memref_squeeze %dma_wait3A_60 : memref<1x2x512xi32, #tpu.memory_space<vmem>> -> memref<2x512xi32, #tpu.memory_space<vmem>>
      %dma_wait3A_62 = arith.constant 0 : i32
      %dma_wait3A_63 = arith.constant 0 : i32
      %dma_wait3A_64 = tpu.memref_slice %arg3[%mul3A_2, %dma_wait3A_62, %dma_wait3A_63] : memref<3200x2x512xi32, #tpu.memory_space<hbm>> -> memref<1x2x512xi32, #tpu.memory_space<hbm>>
      %dma_wait3A_65 = tpu.memref_squeeze %dma_wait3A_64 : memref<1x2x512xi32, #tpu.memory_space<hbm>> -> memref<2x512xi32, #tpu.memory_space<hbm>>
      %dma_wait3A_66 = arith.constant 0 : i32
      %dma_wait3A_67 = arith.constant 0 : i32
      %dma_wait3A_68 = tpu.memref_slice %arg6[%run_scoped3A, %dma_wait3A_66, %dma_wait3A_67] : memref<3x2x512xi32, #tpu.memory_space<vmem>> -> memref<1x2x512xi32, #tpu.memory_space<vmem>>
      %dma_wait3A_69 = tpu.memref_squeeze %dma_wait3A_68 : memref<1x2x512xi32, #tpu.memory_space<vmem>> -> memref<2x512xi32, #tpu.memory_space<vmem>>
      %dma_wait3A_70 = arith.constant 0 : i32
      %dma_wait3A_71 = arith.constant 0 : i32
      %dma_wait3A_72 = tpu.memref_slice %arg3[%mul3A_2, %dma_wait3A_70, %dma_wait3A_71] : memref<3200x2x512xi32, #tpu.memory_space<hbm>> -> memref<1x2x512xi32, #tpu.memory_space<hbm>>
      %dma_wait3A_73 = tpu.memref_squeeze %dma_wait3A_72 : memref<1x2x512xi32, #tpu.memory_space<hbm>> -> memref<2x512xi32, #tpu.memory_space<hbm>>
      tpu.wait_dma2 semaphore(%run_scoped3A_42 : memref<!tpu.dma_semaphore, #tpu.memory_space<semaphore_mem>>) src(%dma_wait3A_73 : memref<2x512xi32, #tpu.memory_space<hbm>>) dst(%dma_wait3A_69 : memref<2x512xi32, #tpu.memory_space<vmem>>)
      tpu.yield
    }) : () -> ()
    %scan3A = arith.constant 0 : i32
    %scan3A_3 = arith.constant 0 : i32
    %scan3A_4 = arith.constant 200 : i32
    %scan3A_5 = arith.addi %scan3A_3, %scan3A_4 : i32
    %scan3A_6 = arith.constant 1 : i32
    scf.for %scan3A_42 = %scan3A_3 to %scan3A_5 step %scan3A_6  : i32 {
      %jit3A = arith.constant 2 : i32
      %eq3A = arith.constant 0 : i32
      %eq3A_43 = arith.cmpi eq, %jit3A, %eq3A : i32
      %jit3A_44 = arith.constant 1 : i32
      %select_n3A = arith.select %eq3A_43, %jit3A_44, %jit3A : i32
      %rem3A = arith.remsi %scan3A_42, %select_n3A : i32
      %ne3A = arith.constant 0 : i32
      %ne3A_45 = arith.cmpi ne, %rem3A, %ne3A : i32
      %lt3A = arith.constant 0 : i32
      %lt3A_46 = arith.cmpi slt, %rem3A, %lt3A : i32
      %lt3A_47 = arith.constant 0 : i32
      %lt3A_48 = arith.cmpi slt, %select_n3A, %lt3A_47 : i32
      %ne3A_49 = arith.xori %lt3A_46, %lt3A_48 : i1
      %and3A = arith.andi %ne3A_49, %ne3A_45 : i1
      %add3A = arith.addi %rem3A, %select_n3A : i32
      %select_n3A_50 = arith.select %and3A, %add3A, %rem3A : i32
      %jit3A_51 = arith.constant 3 : i32
      %eq3A_52 = arith.constant 0 : i32
      %eq3A_53 = arith.cmpi eq, %jit3A_51, %eq3A_52 : i32
      %jit3A_54 = arith.constant 1 : i32
      %select_n3A_55 = arith.select %eq3A_53, %jit3A_54, %jit3A_51 : i32
      %rem3A_56 = arith.remsi %scan3A_42, %select_n3A_55 : i32
      %ne3A_57 = arith.constant 0 : i32
      %ne3A_58 = arith.cmpi ne, %rem3A_56, %ne3A_57 : i32
      %lt3A_59 = arith.constant 0 : i32
      %lt3A_60 = arith.cmpi slt, %rem3A_56, %lt3A_59 : i32
      %lt3A_61 = arith.constant 0 : i32
      %lt3A_62 = arith.cmpi slt, %select_n3A_55, %lt3A_61 : i32
      %ne3A_63 = arith.xori %lt3A_60, %lt3A_62 : i1
      %and3A_64 = arith.andi %ne3A_63, %ne3A_58 : i1
      %add3A_65 = arith.addi %rem3A_56, %select_n3A_55 : i32
      %select_n3A_66 = arith.select %and3A_64, %add3A_65, %rem3A_56 : i32
      %ge3A = arith.constant 2 : i32
      %ge3A_67 = arith.cmpi sge, %scan3A_42, %ge3A : i32
      %convert_element_type3A = arith.extui %ge3A_67 : i1 to i32
      %cond3A = arith.constant 0 : i32
      %cond3A_68 = arith.cmpi ne, %convert_element_type3A, %cond3A : i32
      scf.if %cond3A_68 {
        %dma_wait3A_133 = arith.constant 1 : i32
        %dma_wait3A_134 = arith.constant 0 : i32
        %dma_wait3A_135 = arith.constant 0 : i32
        %dma_wait3A_136 = tpu.memref_slice %arg7[%select_n3A_50, %dma_wait3A_134, %dma_wait3A_135] : memref<2x512x16xf32, #tpu.memory_space<vmem>> -> memref<1x512x16xf32, #tpu.memory_space<vmem>>
        %dma_wait3A_137 = tpu.memref_squeeze %dma_wait3A_136 : memref<1x512x16xf32, #tpu.memory_space<vmem>> -> memref<512x16xf32, #tpu.memory_space<vmem>>
        %dma_wait3A_138 = arith.constant 0 : i32
        %dma_wait3A_139 = arith.constant 0 : i32
        %dma_wait3A_140 = tpu.memref_slice %arg6[%select_n3A_66, %dma_wait3A_138, %dma_wait3A_139] : memref<3x2x512xi32, #tpu.memory_space<vmem>> -> memref<1x2x512xi32, #tpu.memory_space<vmem>>
        %dma_wait3A_141 = tpu.memref_squeeze %dma_wait3A_140 : memref<1x2x512xi32, #tpu.memory_space<vmem>> -> memref<2x512xi32, #tpu.memory_space<vmem>>
        %dma_wait3A_142 = arith.constant 0 : i32
        %dma_wait3A_143 = tpu.memref_slice %dma_wait3A_141[%dma_wait3A_133, %dma_wait3A_142] : memref<2x512xi32, #tpu.memory_space<vmem>> -> memref<1x512xi32, #tpu.memory_space<vmem>>
        %dma_wait3A_144 = tpu.memref_squeeze %dma_wait3A_143 : memref<1x512xi32, #tpu.memory_space<vmem>> -> memref<512xi32, #tpu.memory_space<vmem>>
        %dma_wait3A_145 = arith.constant 0 : i32
        %dma_wait3A_146 = arith.constant 0 : i32
        %dma_wait3A_147 = tpu.memref_slice %arg8[%dma_wait3A_145, %dma_wait3A_146] : memref<100352x16xf32, #tpu.memory_space<vmem_shared>> -> memref<100352x16xf32, #tpu.memory_space<vmem_shared>>
        tpu.wait_indirect_dma semaphore(%arg10 : memref<!tpu.dma_semaphore, #tpu.memory_space<semaphore_mem>>) src(%dma_wait3A_137 : memref<512x16xf32, #tpu.memory_space<vmem>>) dst(%dma_wait3A_147 : memref<100352x16xf32, #tpu.memory_space<vmem_shared>>)
      } else {
      }
      %add3A_69 = arith.constant 1 : i32
      %add3A_70 = arith.addi %scan3A_42, %add3A_69 : i32
      %lt3A_71 = arith.constant 200 : i32
      %lt3A_72 = arith.cmpi slt, %add3A_70, %lt3A_71 : i32
      %convert_element_type3A_73 = arith.extui %lt3A_72 : i1 to i32
      %cond3A_74 = arith.constant 0 : i32
      %cond3A_75 = arith.cmpi ne, %convert_element_type3A_73, %cond3A_74 : i32
      scf.if %cond3A_75 {
        %mul3A_133 = arith.constant 200 : i32
        %mul3A_134 = arith.muli %arg1, %mul3A_133 : i32
        %add3A_135 = arith.addi %mul3A_134, %scan3A_42 : i32
        %add3A_136 = arith.constant 1 : i32
        %add3A_137 = arith.addi %add3A_135, %add3A_136 : i32
        %add3A_138 = arith.constant 1 : i32
        %add3A_139 = arith.addi %scan3A_42, %add3A_138 : i32
        %jit3A_140 = arith.constant 3 : i32
        %eq3A_141 = arith.constant 0 : i32
        %eq3A_142 = arith.cmpi eq, %jit3A_140, %eq3A_141 : i32
        %jit3A_143 = arith.constant 1 : i32
        %select_n3A_144 = arith.select %eq3A_142, %jit3A_143, %jit3A_140 : i32
        %rem3A_145 = arith.remsi %add3A_139, %select_n3A_144 : i32
        %ne3A_146 = arith.constant 0 : i32
        %ne3A_147 = arith.cmpi ne, %rem3A_145, %ne3A_146 : i32
        %lt3A_148 = arith.constant 0 : i32
        %lt3A_149 = arith.cmpi slt, %rem3A_145, %lt3A_148 : i32
        %lt3A_150 = arith.constant 0 : i32
        %lt3A_151 = arith.cmpi slt, %select_n3A_144, %lt3A_150 : i32
        %ne3A_152 = arith.xori %lt3A_149, %lt3A_151 : i1
        %and3A_153 = arith.andi %ne3A_152, %ne3A_147 : i1
        %add3A_154 = arith.addi %rem3A_145, %select_n3A_144 : i32
        %select_n3A_155 = arith.select %and3A_153, %add3A_154, %rem3A_145 : i32
        %dma_start3A_156 = arith.constant 0 : i32
        %dma_start3A_157 = arith.constant 0 : i32
        %dma_start3A_158 = tpu.memref_slice %arg6[%select_n3A_155, %dma_start3A_156, %dma_start3A_157] : memref<3x2x512xi32, #tpu.memory_space<vmem>> -> memref<1x2x512xi32, #tpu.memory_space<vmem>>
        %dma_start3A_159 = tpu.memref_squeeze %dma_start3A_158 : memref<1x2x512xi32, #tpu.memory_space<vmem>> -> memref<2x512xi32, #tpu.memory_space<vmem>>
        %dma_start3A_160 = arith.constant 0 : i32
        %dma_start3A_161 = arith.constant 0 : i32
        %dma_start3A_162 = tpu.memref_slice %arg3[%add3A_137, %dma_start3A_160, %dma_start3A_161] : memref<3200x2x512xi32, #tpu.memory_space<hbm>> -> memref<1x2x512xi32, #tpu.memory_space<hbm>>
        %dma_start3A_163 = tpu.memref_squeeze %dma_start3A_162 : memref<1x2x512xi32, #tpu.memory_space<hbm>> -> memref<2x512xi32, #tpu.memory_space<hbm>>
        %dma_start3A_164 = arith.constant 0 : i32
        %dma_start3A_165 = arith.constant 0 : i32
        %dma_start3A_166 = tpu.memref_slice %arg6[%select_n3A_155, %dma_start3A_164, %dma_start3A_165] : memref<3x2x512xi32, #tpu.memory_space<vmem>> -> memref<1x2x512xi32, #tpu.memory_space<vmem>>
        %dma_start3A_167 = tpu.memref_squeeze %dma_start3A_166 : memref<1x2x512xi32, #tpu.memory_space<vmem>> -> memref<2x512xi32, #tpu.memory_space<vmem>>
        %dma_start3A_168 = arith.constant 0 : i32
        %dma_start3A_169 = arith.constant 0 : i32
        %dma_start3A_170 = tpu.memref_slice %arg3[%add3A_137, %dma_start3A_168, %dma_start3A_169] : memref<3200x2x512xi32, #tpu.memory_space<hbm>> -> memref<1x2x512xi32, #tpu.memory_space<hbm>>
        %dma_start3A_171 = tpu.memref_squeeze %dma_start3A_170 : memref<1x2x512xi32, #tpu.memory_space<hbm>> -> memref<2x512xi32, #tpu.memory_space<hbm>>
        tpu.enqueue_dma source(%dma_start3A_171 : memref<2x512xi32, #tpu.memory_space<hbm>>) target(%dma_start3A_167 : memref<2x512xi32, #tpu.memory_space<vmem>>) target_semaphore(%arg11 : memref<!tpu.dma_semaphore, #tpu.memory_space<semaphore_mem>>)
      } else {
      }
      %ge3A_76 = arith.constant 1 : i32
      %ge3A_77 = arith.cmpi sge, %scan3A_42, %ge3A_76 : i32
      %convert_element_type3A_78 = arith.extui %ge3A_77 : i1 to i32
      %cond3A_79 = arith.constant 0 : i32
      %cond3A_80 = arith.cmpi ne, %convert_element_type3A_78, %cond3A_79 : i32
      scf.if %cond3A_80 {
        %mul3A_133 = arith.constant 200 : i32
        %mul3A_134 = arith.muli %arg1, %mul3A_133 : i32
        %add3A_135 = arith.addi %mul3A_134, %scan3A_42 : i32
        %dma_wait3A_136 = arith.constant 0 : i32
        %dma_wait3A_137 = arith.constant 0 : i32
        %dma_wait3A_138 = tpu.memref_slice %arg6[%select_n3A_66, %dma_wait3A_136, %dma_wait3A_137] : memref<3x2x512xi32, #tpu.memory_space<vmem>> -> memref<1x2x512xi32, #tpu.memory_space<vmem>>
        %dma_wait3A_139 = tpu.memref_squeeze %dma_wait3A_138 : memref<1x2x512xi32, #tpu.memory_space<vmem>> -> memref<2x512xi32, #tpu.memory_space<vmem>>
        %dma_wait3A_140 = arith.constant 0 : i32
        %dma_wait3A_141 = arith.constant 0 : i32
        %dma_wait3A_142 = tpu.memref_slice %arg3[%add3A_135, %dma_wait3A_140, %dma_wait3A_141] : memref<3200x2x512xi32, #tpu.memory_space<hbm>> -> memref<1x2x512xi32, #tpu.memory_space<hbm>>
        %dma_wait3A_143 = tpu.memref_squeeze %dma_wait3A_142 : memref<1x2x512xi32, #tpu.memory_space<hbm>> -> memref<2x512xi32, #tpu.memory_space<hbm>>
        %dma_wait3A_144 = arith.constant 0 : i32
        %dma_wait3A_145 = arith.constant 0 : i32
        %dma_wait3A_146 = tpu.memref_slice %arg6[%select_n3A_66, %dma_wait3A_144, %dma_wait3A_145] : memref<3x2x512xi32, #tpu.memory_space<vmem>> -> memref<1x2x512xi32, #tpu.memory_space<vmem>>
        %dma_wait3A_147 = tpu.memref_squeeze %dma_wait3A_146 : memref<1x2x512xi32, #tpu.memory_space<vmem>> -> memref<2x512xi32, #tpu.memory_space<vmem>>
        %dma_wait3A_148 = arith.constant 0 : i32
        %dma_wait3A_149 = arith.constant 0 : i32
        %dma_wait3A_150 = tpu.memref_slice %arg3[%add3A_135, %dma_wait3A_148, %dma_wait3A_149] : memref<3200x2x512xi32, #tpu.memory_space<hbm>> -> memref<1x2x512xi32, #tpu.memory_space<hbm>>
        %dma_wait3A_151 = tpu.memref_squeeze %dma_wait3A_150 : memref<1x2x512xi32, #tpu.memory_space<hbm>> -> memref<2x512xi32, #tpu.memory_space<hbm>>
        tpu.wait_dma2 semaphore(%arg11 : memref<!tpu.dma_semaphore, #tpu.memory_space<semaphore_mem>>) src(%dma_wait3A_151 : memref<2x512xi32, #tpu.memory_space<hbm>>) dst(%dma_wait3A_147 : memref<2x512xi32, #tpu.memory_space<vmem>>)
      } else {
      }
      %dma_start3A = arith.constant 0 : i32
      %dma_start3A_81 = arith.constant 0 : i32
      %dma_start3A_82 = arith.constant 0 : i32
      %dma_start3A_83 = tpu.memref_slice %arg7[%select_n3A_50, %dma_start3A_81, %dma_start3A_82] : memref<2x512x16xf32, #tpu.memory_space<vmem>> -> memref<1x512x16xf32, #tpu.memory_space<vmem>>
      %dma_start3A_84 = tpu.memref_squeeze %dma_start3A_83 : memref<1x512x16xf32, #tpu.memory_space<vmem>> -> memref<512x16xf32, #tpu.memory_space<vmem>>
      %dma_start3A_85 = arith.constant 0 : i32
      %dma_start3A_86 = arith.constant 0 : i32
      %dma_start3A_87 = tpu.memref_slice %arg6[%select_n3A_66, %dma_start3A_85, %dma_start3A_86] : memref<3x2x512xi32, #tpu.memory_space<vmem>> -> memref<1x2x512xi32, #tpu.memory_space<vmem>>
      %dma_start3A_88 = tpu.memref_squeeze %dma_start3A_87 : memref<1x2x512xi32, #tpu.memory_space<vmem>> -> memref<2x512xi32, #tpu.memory_space<vmem>>
      %dma_start3A_89 = arith.constant 0 : i32
      %dma_start3A_90 = tpu.memref_slice %dma_start3A_88[%dma_start3A, %dma_start3A_89] : memref<2x512xi32, #tpu.memory_space<vmem>> -> memref<1x512xi32, #tpu.memory_space<vmem>>
      %dma_start3A_91 = tpu.memref_squeeze %dma_start3A_90 : memref<1x512xi32, #tpu.memory_space<vmem>> -> memref<512xi32, #tpu.memory_space<vmem>>
      %dma_start3A_92 = arith.constant 0 : i32
      %dma_start3A_93 = arith.constant 0 : i32
      %dma_start3A_94 = tpu.memref_slice %arg2[%arg0, %dma_start3A_92, %dma_start3A_93] : memref<2x100352x16xf32, #tpu.memory_space<hbm>> -> memref<1x100352x16xf32, #tpu.memory_space<hbm>>
      %dma_start3A_95 = tpu.memref_squeeze %dma_start3A_94 : memref<1x100352x16xf32, #tpu.memory_space<hbm>> -> memref<100352x16xf32, #tpu.memory_space<hbm>>
      %dma_start3A_96 = arith.constant 0 : i32
      %dma_start3A_97 = arith.constant 0 : i32
      %dma_start3A_98 = tpu.memref_slice %dma_start3A_95[%dma_start3A_96, %dma_start3A_97] : memref<100352x16xf32, #tpu.memory_space<hbm>> -> memref<100352x16xf32, #tpu.memory_space<hbm>>
      tpu.enqueue_indirect_dma source(%dma_start3A_98 : memref<100352x16xf32, #tpu.memory_space<hbm>>) target(%dma_start3A_84 : memref<512x16xf32, #tpu.memory_space<vmem>>) offsets(%dma_start3A_91 : memref<512xi32, #tpu.memory_space<vmem>>) semaphore(%arg9 : memref<!tpu.dma_semaphore, #tpu.memory_space<semaphore_mem>>)
      %dma_wait3A_99 = arith.constant 0 : i32
      %dma_wait3A_100 = arith.constant 0 : i32
      %dma_wait3A_101 = arith.constant 0 : i32
      %dma_wait3A_102 = tpu.memref_slice %arg7[%select_n3A_50, %dma_wait3A_100, %dma_wait3A_101] : memref<2x512x16xf32, #tpu.memory_space<vmem>> -> memref<1x512x16xf32, #tpu.memory_space<vmem>>
      %dma_wait3A_103 = tpu.memref_squeeze %dma_wait3A_102 : memref<1x512x16xf32, #tpu.memory_space<vmem>> -> memref<512x16xf32, #tpu.memory_space<vmem>>
      %dma_wait3A_104 = arith.constant 0 : i32
      %dma_wait3A_105 = arith.constant 0 : i32
      %dma_wait3A_106 = tpu.memref_slice %arg6[%select_n3A_66, %dma_wait3A_104, %dma_wait3A_105] : memref<3x2x512xi32, #tpu.memory_space<vmem>> -> memref<1x2x512xi32, #tpu.memory_space<vmem>>
      %dma_wait3A_107 = tpu.memref_squeeze %dma_wait3A_106 : memref<1x2x512xi32, #tpu.memory_space<vmem>> -> memref<2x512xi32, #tpu.memory_space<vmem>>
      %dma_wait3A_108 = arith.constant 0 : i32
      %dma_wait3A_109 = tpu.memref_slice %dma_wait3A_107[%dma_wait3A_99, %dma_wait3A_108] : memref<2x512xi32, #tpu.memory_space<vmem>> -> memref<1x512xi32, #tpu.memory_space<vmem>>
      %dma_wait3A_110 = tpu.memref_squeeze %dma_wait3A_109 : memref<1x512xi32, #tpu.memory_space<vmem>> -> memref<512xi32, #tpu.memory_space<vmem>>
      %dma_wait3A_111 = arith.constant 0 : i32
      %dma_wait3A_112 = arith.constant 0 : i32
      %dma_wait3A_113 = tpu.memref_slice %arg2[%arg0, %dma_wait3A_111, %dma_wait3A_112] : memref<2x100352x16xf32, #tpu.memory_space<hbm>> -> memref<1x100352x16xf32, #tpu.memory_space<hbm>>
      %dma_wait3A_114 = tpu.memref_squeeze %dma_wait3A_113 : memref<1x100352x16xf32, #tpu.memory_space<hbm>> -> memref<100352x16xf32, #tpu.memory_space<hbm>>
      %dma_wait3A_115 = arith.constant 0 : i32
      %dma_wait3A_116 = arith.constant 0 : i32
      %dma_wait3A_117 = tpu.memref_slice %dma_wait3A_114[%dma_wait3A_115, %dma_wait3A_116] : memref<100352x16xf32, #tpu.memory_space<hbm>> -> memref<100352x16xf32, #tpu.memory_space<hbm>>
      tpu.wait_indirect_dma semaphore(%arg9 : memref<!tpu.dma_semaphore, #tpu.memory_space<semaphore_mem>>) src(%dma_wait3A_117 : memref<100352x16xf32, #tpu.memory_space<hbm>>) dst(%dma_wait3A_103 : memref<512x16xf32, #tpu.memory_space<vmem>>)
      %dma_start3A_118 = arith.constant 1 : i32
      %dma_start3A_119 = arith.constant 0 : i32
      %dma_start3A_120 = arith.constant 0 : i32
      %dma_start3A_121 = tpu.memref_slice %arg7[%select_n3A_50, %dma_start3A_119, %dma_start3A_120] : memref<2x512x16xf32, #tpu.memory_space<vmem>> -> memref<1x512x16xf32, #tpu.memory_space<vmem>>
      %dma_start3A_122 = tpu.memref_squeeze %dma_start3A_121 : memref<1x512x16xf32, #tpu.memory_space<vmem>> -> memref<512x16xf32, #tpu.memory_space<vmem>>
      %dma_start3A_123 = arith.constant 0 : i32
      %dma_start3A_124 = arith.constant 0 : i32
      %dma_start3A_125 = tpu.memref_slice %arg6[%select_n3A_66, %dma_start3A_123, %dma_start3A_124] : memref<3x2x512xi32, #tpu.memory_space<vmem>> -> memref<1x2x512xi32, #tpu.memory_space<vmem>>
      %dma_start3A_126 = tpu.memref_squeeze %dma_start3A_125 : memref<1x2x512xi32, #tpu.memory_space<vmem>> -> memref<2x512xi32, #tpu.memory_space<vmem>>
      %dma_start3A_127 = arith.constant 0 : i32
      %dma_start3A_128 = tpu.memref_slice %dma_start3A_126[%dma_start3A_118, %dma_start3A_127] : memref<2x512xi32, #tpu.memory_space<vmem>> -> memref<1x512xi32, #tpu.memory_space<vmem>>
      %dma_start3A_129 = tpu.memref_squeeze %dma_start3A_128 : memref<1x512xi32, #tpu.memory_space<vmem>> -> memref<512xi32, #tpu.memory_space<vmem>>
      %dma_start3A_130 = arith.constant 0 : i32
      %dma_start3A_131 = arith.constant 0 : i32
      %dma_start3A_132 = tpu.memref_slice %arg8[%dma_start3A_130, %dma_start3A_131] : memref<100352x16xf32, #tpu.memory_space<vmem_shared>> -> memref<100352x16xf32, #tpu.memory_space<vmem_shared>>
      tpu.enqueue_indirect_dma source(%dma_start3A_122 : memref<512x16xf32, #tpu.memory_space<vmem>>) target(%dma_start3A_132 : memref<100352x16xf32, #tpu.memory_space<vmem_shared>>) offsets(%dma_start3A_129 : memref<512xi32, #tpu.memory_space<vmem>>) semaphore(%arg10 : memref<!tpu.dma_semaphore, #tpu.memory_space<semaphore_mem>>) {add = true}
    }
    %scan3A_7 = arith.constant 200 : i32
    %dma_wait3A = arith.constant 0 : i32
    %dma_wait3A_8 = arith.constant 0 : i32
    %dma_wait3A_9 = arith.constant 1 : i32
    %dma_wait3A_10 = arith.constant 0 : i32
    %dma_wait3A_11 = arith.constant 0 : i32
    %dma_wait3A_12 = tpu.memref_slice %arg7[%dma_wait3A, %dma_wait3A_10, %dma_wait3A_11] : memref<2x512x16xf32, #tpu.memory_space<vmem>> -> memref<1x512x16xf32, #tpu.memory_space<vmem>>
    %dma_wait3A_13 = tpu.memref_squeeze %dma_wait3A_12 : memref<1x512x16xf32, #tpu.memory_space<vmem>> -> memref<512x16xf32, #tpu.memory_space<vmem>>
    %dma_wait3A_14 = arith.constant 0 : i32
    %dma_wait3A_15 = arith.constant 0 : i32
    %dma_wait3A_16 = tpu.memref_slice %arg6[%dma_wait3A_8, %dma_wait3A_14, %dma_wait3A_15] : memref<3x2x512xi32, #tpu.memory_space<vmem>> -> memref<1x2x512xi32, #tpu.memory_space<vmem>>
    %dma_wait3A_17 = tpu.memref_squeeze %dma_wait3A_16 : memref<1x2x512xi32, #tpu.memory_space<vmem>> -> memref<2x512xi32, #tpu.memory_space<vmem>>
    %dma_wait3A_18 = arith.constant 0 : i32
    %dma_wait3A_19 = tpu.memref_slice %dma_wait3A_17[%dma_wait3A_9, %dma_wait3A_18] : memref<2x512xi32, #tpu.memory_space<vmem>> -> memref<1x512xi32, #tpu.memory_space<vmem>>
    %dma_wait3A_20 = tpu.memref_squeeze %dma_wait3A_19 : memref<1x512xi32, #tpu.memory_space<vmem>> -> memref<512xi32, #tpu.memory_space<vmem>>
    %dma_wait3A_21 = arith.constant 0 : i32
    %dma_wait3A_22 = arith.constant 0 : i32
    %dma_wait3A_23 = tpu.memref_slice %arg8[%dma_wait3A_21, %dma_wait3A_22] : memref<100352x16xf32, #tpu.memory_space<vmem_shared>> -> memref<100352x16xf32, #tpu.memory_space<vmem_shared>>
    tpu.wait_indirect_dma semaphore(%arg10 : memref<!tpu.dma_semaphore, #tpu.memory_space<semaphore_mem>>) src(%dma_wait3A_13 : memref<512x16xf32, #tpu.memory_space<vmem>>) dst(%dma_wait3A_23 : memref<100352x16xf32, #tpu.memory_space<vmem_shared>>)
    %dma_wait3A_24 = arith.constant 1 : i32
    %dma_wait3A_25 = arith.constant 1 : i32
    %dma_wait3A_26 = arith.constant 1 : i32
    %dma_wait3A_27 = arith.constant 0 : i32
    %dma_wait3A_28 = arith.constant 0 : i32
    %dma_wait3A_29 = tpu.memref_slice %arg7[%dma_wait3A_24, %dma_wait3A_27, %dma_wait3A_28] : memref<2x512x16xf32, #tpu.memory_space<vmem>> -> memref<1x512x16xf32, #tpu.memory_space<vmem>>
    %dma_wait3A_30 = tpu.memref_squeeze %dma_wait3A_29 : memref<1x512x16xf32, #tpu.memory_space<vmem>> -> memref<512x16xf32, #tpu.memory_space<vmem>>
    %dma_wait3A_31 = arith.constant 0 : i32
    %dma_wait3A_32 = arith.constant 0 : i32
    %dma_wait3A_33 = tpu.memref_slice %arg6[%dma_wait3A_25, %dma_wait3A_31, %dma_wait3A_32] : memref<3x2x512xi32, #tpu.memory_space<vmem>> -> memref<1x2x512xi32, #tpu.memory_space<vmem>>
    %dma_wait3A_34 = tpu.memref_squeeze %dma_wait3A_33 : memref<1x2x512xi32, #tpu.memory_space<vmem>> -> memref<2x512xi32, #tpu.memory_space<vmem>>
    %dma_wait3A_35 = arith.constant 0 : i32
    %dma_wait3A_36 = tpu.memref_slice %dma_wait3A_34[%dma_wait3A_26, %dma_wait3A_35] : memref<2x512xi32, #tpu.memory_space<vmem>> -> memref<1x512xi32, #tpu.memory_space<vmem>>
    %dma_wait3A_37 = tpu.memref_squeeze %dma_wait3A_36 : memref<1x512xi32, #tpu.memory_space<vmem>> -> memref<512xi32, #tpu.memory_space<vmem>>
    %dma_wait3A_38 = arith.constant 0 : i32
    %dma_wait3A_39 = arith.constant 0 : i32
    %dma_wait3A_40 = tpu.memref_slice %arg8[%dma_wait3A_38, %dma_wait3A_39] : memref<100352x16xf32, #tpu.memory_space<vmem_shared>> -> memref<100352x16xf32, #tpu.memory_space<vmem_shared>>
    tpu.wait_indirect_dma semaphore(%arg10 : memref<!tpu.dma_semaphore, #tpu.memory_space<semaphore_mem>>) src(%dma_wait3A_30 : memref<512x16xf32, #tpu.memory_space<vmem>>) dst(%dma_wait3A_40 : memref<100352x16xf32, #tpu.memory_space<vmem_shared>>)
    %barrier3A_41 = arith.constant 0 : index
    tpu.barrier barrier_id(%barrier3A_41)
    "tpu.region"() ({
      %run_scoped3A_42 = tpu.sem_alloc : memref<!tpu.dma_semaphore, #tpu.memory_space<semaphore_mem>>
      %dma_start3A = arith.constant 0 : i32
      %dma_start3A_43 = tpu.memref_slice %arg5[%arg0, %mul3A_0, %dma_start3A] : memref<2x100352x16xf32, #tpu.memory_space<hbm>> -> memref<1x6272x16xf32, #tpu.memory_space<hbm>>
      %dma_start3A_44 = tpu.memref_squeeze %dma_start3A_43 : memref<1x6272x16xf32, #tpu.memory_space<hbm>> -> memref<6272x16xf32, #tpu.memory_space<hbm>>
      %dma_start3A_45 = arith.constant 0 : i32
      %dma_start3A_46 = tpu.memref_slice %arg8[%mul3A_0, %dma_start3A_45] : memref<100352x16xf32, #tpu.memory_space<vmem_shared>> -> memref<6272x16xf32, #tpu.memory_space<vmem_shared>>
      tpu.enqueue_dma source(%dma_start3A_46 : memref<6272x16xf32, #tpu.memory_space<vmem_shared>>) target(%dma_start3A_44 : memref<6272x16xf32, #tpu.memory_space<hbm>>) target_semaphore(%run_scoped3A_42 : memref<!tpu.dma_semaphore, #tpu.memory_space<semaphore_mem>>)
      %dma_wait3A_47 = arith.constant 0 : i32
      %dma_wait3A_48 = tpu.memref_slice %arg5[%arg0, %mul3A_0, %dma_wait3A_47] : memref<2x100352x16xf32, #tpu.memory_space<hbm>> -> memref<1x6272x16xf32, #tpu.memory_space<hbm>>
      %dma_wait3A_49 = tpu.memref_squeeze %dma_wait3A_48 : memref<1x6272x16xf32, #tpu.memory_space<hbm>> -> memref<6272x16xf32, #tpu.memory_space<hbm>>
      %dma_wait3A_50 = arith.constant 0 : i32
      %dma_wait3A_51 = tpu.memref_slice %arg8[%mul3A_0, %dma_wait3A_50] : memref<100352x16xf32, #tpu.memory_space<vmem_shared>> -> memref<6272x16xf32, #tpu.memory_space<vmem_shared>>
      tpu.wait_dma2 semaphore(%run_scoped3A_42 : memref<!tpu.dma_semaphore, #tpu.memory_space<semaphore_mem>>) src(%dma_wait3A_51 : memref<6272x16xf32, #tpu.memory_space<vmem_shared>>) dst(%dma_wait3A_49 : memref<6272x16xf32, #tpu.memory_space<hbm>>)
      tpu.yield
    }) : () -> ()
    return
  }
}

module attributes {stable_mosaic.version = 14 : i64} {
  func.func @_pre_body(%arg0: i32, %arg1: memref<2048x5xf32, #tpu.memory_space<vmem>>, %arg2: memref<5x64xf32, #tpu.memory_space<vmem>>, %arg3: memref<1x64xf32, #tpu.memory_space<vmem>>, %arg4: memref<64x32xf32, #tpu.memory_space<vmem>>, %arg5: memref<64x32xf32, #tpu.memory_space<vmem>>, %arg6: memref<1x32xf32, #tpu.memory_space<vmem>>, %arg7: memref<2x2048x16xf32, #tpu.memory_space<vmem>>, %arg8: memref<2048x32xf32, #tpu.memory_space<vmem>>) attributes {dimension_semantics = [#tpu.dimension_semantics<arbitrary>], iteration_bounds = array<i64: 49>, scalar_prefetch = 0 : i64, scratch_operands = 0 : i64, tpu.core_type = #tpu.core_type<tc>, window_params = [{transform_indices = @transform_0, window_bounds = array<i64: 2048, 5>}, {pipeline_mode = #tpu.pipeline_mode<synchronous>, transform_indices = @transform_1, window_bounds = array<i64: 5, 64>}, {pipeline_mode = #tpu.pipeline_mode<synchronous>, transform_indices = @transform_2, window_bounds = array<i64: 1, 64>}, {pipeline_mode = #tpu.pipeline_mode<synchronous>, transform_indices = @transform_3, window_bounds = array<i64: 64, 32>}, {pipeline_mode = #tpu.pipeline_mode<synchronous>, transform_indices = @transform_4, window_bounds = array<i64: 64, 32>}, {pipeline_mode = #tpu.pipeline_mode<synchronous>, transform_indices = @transform_5, window_bounds = array<i64: 1, 32>}, {transform_indices = @transform_6, window_bounds = array<i64: 2, 2048, 16>}, {transform_indices = @transform_7, window_bounds = array<i64: 2048, 32>}]} {
    %get3A = arith.constant 0 : index
    %get3A_0 = arith.constant 0 : index
    %get3A_1 = vector.load %arg1[%get3A, %get3A_0] : memref<2048x5xf32, #tpu.memory_space<vmem>>, vector<2048x5xf32>
    %get3A_2 = arith.constant 0 : index
    %get3A_3 = arith.constant 0 : index
    %get3A_4 = vector.load %arg2[%get3A_2, %get3A_3] : memref<5x64xf32, #tpu.memory_space<vmem>>, vector<5x64xf32>
    %dot_general3A = arith.constant dense<0.000000e+00> : vector<2048x64xf32>
    %dot_general3A_5 = tpu.matmul %get3A_1, %get3A_4, %dot_general3A {dimension_numbers = #tpu.dot_dimension_numbers<[1], [0], [0], [1], [0, 0, 1, 1], [], []>, transpose_lhs_hint = false} : vector<2048x5xf32>, vector<5x64xf32>, vector<2048x64xf32> -> vector<2048x64xf32>
    %get3A_6 = arith.constant 0 : index
    %get3A_7 = arith.constant 0 : index
    %get3A_8 = vector.load %arg3[%get3A_6, %get3A_7] : memref<1x64xf32, #tpu.memory_space<vmem>>, vector<1x64xf32>
    %add3A = vector.broadcast %get3A_8 : vector<1x64xf32> to vector<2048x64xf32>
    %add3A_9 = arith.addf %dot_general3A_5, %add3A : vector<2048x64xf32>
    %max3A = arith.constant 0.000000e+00 : f32
    %max3A_10 = vector.broadcast %max3A : f32 to vector<2048x64xf32>
    %max3A_11 = arith.maximumf %add3A_9, %max3A_10 : vector<2048x64xf32>
    %get3A_12 = arith.constant 0 : index
    %get3A_13 = arith.constant 0 : index
    %get3A_14 = vector.load %arg4[%get3A_12, %get3A_13] : memref<64x32xf32, #tpu.memory_space<vmem>>, vector<64x32xf32>
    %dot_general3A_15 = arith.constant dense<0.000000e+00> : vector<2048x32xf32>
    %dot_general3A_16 = tpu.matmul %max3A_11, %get3A_14, %dot_general3A_15 {dimension_numbers = #tpu.dot_dimension_numbers<[1], [0], [0], [1], [0, 0, 1, 1], [], []>, transpose_lhs_hint = false} : vector<2048x64xf32>, vector<64x32xf32>, vector<2048x32xf32> -> vector<2048x32xf32>
    %slice3A = vector.extract_strided_slice %dot_general3A_16 {offsets = [0, 0], sizes = [2048, 16], strides = [1, 1]} : vector<2048x32xf32> to vector<2048x16xf32>
    %swap3A = arith.constant 0 : index
    %swap3A_17 = arith.constant 0 : index
    %swap3A_18 = arith.constant 0 : index
    %swap3A_19 = vector.load %arg7[%swap3A, %swap3A_17, %swap3A_18] : memref<2x2048x16xf32, #tpu.memory_space<vmem>>, vector<1x2048x16xf32>
    %swap3A_20 = vector.shape_cast %swap3A_19 : vector<1x2048x16xf32> to vector<2048x16xf32>
    %swap3A_21 = vector.shape_cast %slice3A : vector<2048x16xf32> to vector<1x2048x16xf32>
    tpu.vector_store %arg7[%swap3A, %swap3A_17, %swap3A_18], %swap3A_21 {strides = array<i32>} : memref<2x2048x16xf32, #tpu.memory_space<vmem>>, vector<1x2048x16xf32>,
    %slice3A_22 = vector.extract_strided_slice %dot_general3A_16 {offsets = [0, 16], sizes = [2048, 16], strides = [1, 1]} : vector<2048x32xf32> to vector<2048x16xf32>
    %swap3A_23 = arith.constant 1 : index
    %swap3A_24 = arith.constant 0 : index
    %swap3A_25 = arith.constant 0 : index
    %swap3A_26 = vector.load %arg7[%swap3A_23, %swap3A_24, %swap3A_25] : memref<2x2048x16xf32, #tpu.memory_space<vmem>>, vector<1x2048x16xf32>
    %swap3A_27 = vector.shape_cast %swap3A_26 : vector<1x2048x16xf32> to vector<2048x16xf32>
    %swap3A_28 = vector.shape_cast %slice3A_22 : vector<2048x16xf32> to vector<1x2048x16xf32>
    tpu.vector_store %arg7[%swap3A_23, %swap3A_24, %swap3A_25], %swap3A_28 {strides = array<i32>} : memref<2x2048x16xf32, #tpu.memory_space<vmem>>, vector<1x2048x16xf32>,
    %get3A_29 = arith.constant 0 : index
    %get3A_30 = arith.constant 0 : index
    %get3A_31 = vector.load %arg5[%get3A_29, %get3A_30] : memref<64x32xf32, #tpu.memory_space<vmem>>, vector<64x32xf32>
    %dot_general3A_32 = arith.constant dense<0.000000e+00> : vector<2048x32xf32>
    %dot_general3A_33 = tpu.matmul %max3A_11, %get3A_31, %dot_general3A_32 {dimension_numbers = #tpu.dot_dimension_numbers<[1], [0], [0], [1], [0, 0, 1, 1], [], []>, transpose_lhs_hint = false} : vector<2048x64xf32>, vector<64x32xf32>, vector<2048x32xf32> -> vector<2048x32xf32>
    %get3A_34 = arith.constant 0 : index
    %get3A_35 = arith.constant 0 : index
    %get3A_36 = vector.load %arg6[%get3A_34, %get3A_35] : memref<1x32xf32, #tpu.memory_space<vmem>>, vector<1x32xf32>
    %add3A_37 = vector.broadcast %get3A_36 : vector<1x32xf32> to vector<2048x32xf32>
    %add3A_38 = arith.addf %dot_general3A_33, %add3A_37 : vector<2048x32xf32>
    %swap3A_39 = arith.constant 0 : index
    %swap3A_40 = arith.constant 0 : index
    %swap3A_41 = vector.load %arg8[%swap3A_39, %swap3A_40] : memref<2048x32xf32, #tpu.memory_space<vmem>>, vector<2048x32xf32>
    tpu.vector_store %arg8[%swap3A_39, %swap3A_40], %add3A_38 {strides = array<i32>} : memref<2048x32xf32, #tpu.memory_space<vmem>>, vector<2048x32xf32>,
    return
  }
  func.func @transform_0(%arg0: i32) -> (i32, i32) {
    %c0_i32 = arith.constant 0 : i32
    %c0_i32_0 = arith.constant 0 : i32
    return %arg0, %c0_i32 : i32, i32
  }
  func.func @transform_1(%arg0: i32) -> (i32, i32) {
    %c0_i32 = arith.constant 0 : i32
    %c0_i32_0 = arith.constant 0 : i32
    %c0_i32_1 = arith.constant 0 : i32
    return %c0_i32, %c0_i32_0 : i32, i32
  }
  func.func @transform_2(%arg0: i32) -> (i32, i32) {
    %c0_i32 = arith.constant 0 : i32
    %c0_i32_0 = arith.constant 0 : i32
    %c0_i32_1 = arith.constant 0 : i32
    return %c0_i32, %c0_i32_0 : i32, i32
  }
  func.func @transform_3(%arg0: i32) -> (i32, i32) {
    %c0_i32 = arith.constant 0 : i32
    %c0_i32_0 = arith.constant 0 : i32
    %c0_i32_1 = arith.constant 0 : i32
    return %c0_i32, %c0_i32_0 : i32, i32
  }
  func.func @transform_4(%arg0: i32) -> (i32, i32) {
    %c0_i32 = arith.constant 0 : i32
    %c0_i32_0 = arith.constant 0 : i32
    %c0_i32_1 = arith.constant 0 : i32
    return %c0_i32, %c0_i32_0 : i32, i32
  }
  func.func @transform_5(%arg0: i32) -> (i32, i32) {
    %c0_i32 = arith.constant 0 : i32
    %c0_i32_0 = arith.constant 0 : i32
    %c0_i32_1 = arith.constant 0 : i32
    return %c0_i32, %c0_i32_0 : i32, i32
  }
  func.func @transform_6(%arg0: i32) -> (i32, i32, i32) {
    %c0_i32 = arith.constant 0 : i32
    %c0_i32_0 = arith.constant 0 : i32
    %c0_i32_1 = arith.constant 0 : i32
    return %c0_i32, %arg0, %c0_i32_0 : i32, i32, i32
  }
  func.func @transform_7(%arg0: i32) -> (i32, i32) {
    %c0_i32 = arith.constant 0 : i32
    %c0_i32_0 = arith.constant 0 : i32
    return %arg0, %c0_i32 : i32, i32
  }
}

module attributes {stable_mosaic.version = 14 : i64} {
  func.func @_mid_body(%arg0: i32, %arg1: memref<2x2048x16xf32, #tpu.memory_space<vmem>>, %arg2: memref<2x2048x16xf32, #tpu.memory_space<vmem>>, %arg3: memref<2048x32xf32, #tpu.memory_space<vmem>>, %arg4: memref<32x32xf32, #tpu.memory_space<vmem>>, %arg5: memref<32x32xf32, #tpu.memory_space<vmem>>, %arg6: memref<1x32xf32, #tpu.memory_space<vmem>>, %arg7: memref<2x2048x16xf32, #tpu.memory_space<vmem>>, %arg8: memref<2048x32xf32, #tpu.memory_space<vmem>>, %arg9: memref<2048x1xf32, #tpu.memory_space<vmem>>) attributes {dimension_semantics = [#tpu.dimension_semantics<arbitrary>], iteration_bounds = array<i64: 49>, scalar_prefetch = 0 : i64, scratch_operands = 0 : i64, tpu.core_type = #tpu.core_type<tc>, window_params = [{transform_indices = @transform_0, window_bounds = array<i64: 2, 2048, 16>}, {transform_indices = @transform_1, window_bounds = array<i64: 2, 2048, 16>}, {transform_indices = @transform_2, window_bounds = array<i64: 2048, 32>}, {pipeline_mode = #tpu.pipeline_mode<synchronous>, transform_indices = @transform_3, window_bounds = array<i64: 32, 32>}, {pipeline_mode = #tpu.pipeline_mode<synchronous>, transform_indices = @transform_4, window_bounds = array<i64: 32, 32>}, {pipeline_mode = #tpu.pipeline_mode<synchronous>, transform_indices = @transform_5, window_bounds = array<i64: 1, 32>}, {transform_indices = @transform_6, window_bounds = array<i64: 2, 2048, 16>}, {transform_indices = @transform_7, window_bounds = array<i64: 2048, 32>}, {transform_indices = @transform_8, window_bounds = array<i64: 2048, 1>}]} {
    %get3A = arith.constant 0 : index
    %get3A_0 = arith.constant 0 : index
    %get3A_1 = arith.constant 0 : index
    %get3A_2 = vector.load %arg1[%get3A, %get3A_0, %get3A_1] : memref<2x2048x16xf32, #tpu.memory_space<vmem>>, vector<1x2048x16xf32>
    %get3A_3 = vector.shape_cast %get3A_2 : vector<1x2048x16xf32> to vector<2048x16xf32>
    %get3A_4 = arith.constant 1 : index
    %get3A_5 = arith.constant 0 : index
    %get3A_6 = arith.constant 0 : index
    %get3A_7 = vector.load %arg1[%get3A_4, %get3A_5, %get3A_6] : memref<2x2048x16xf32, #tpu.memory_space<vmem>>, vector<1x2048x16xf32>
    %get3A_8 = vector.shape_cast %get3A_7 : vector<1x2048x16xf32> to vector<2048x16xf32>
    %concatenate3A = tpu.concatenate %get3A_3, %get3A_8 in 1 : vector<2048x16xf32>, vector<2048x16xf32> -> vector<2048x32xf32>
    %get3A_9 = arith.constant 0 : index
    %get3A_10 = arith.constant 0 : index
    %get3A_11 = arith.constant 0 : index
    %get3A_12 = vector.load %arg2[%get3A_9, %get3A_10, %get3A_11] : memref<2x2048x16xf32, #tpu.memory_space<vmem>>, vector<1x2048x16xf32>
    %get3A_13 = vector.shape_cast %get3A_12 : vector<1x2048x16xf32> to vector<2048x16xf32>
    %slice3A = vector.extract_strided_slice %get3A_13 {offsets = [0, 0], sizes = [2048, 1], strides = [1, 1]} : vector<2048x16xf32> to vector<2048x1xf32>
    %get3A_14 = arith.constant 1 : index
    %get3A_15 = arith.constant 0 : index
    %get3A_16 = arith.constant 0 : index
    %get3A_17 = vector.load %arg2[%get3A_14, %get3A_15, %get3A_16] : memref<2x2048x16xf32, #tpu.memory_space<vmem>>, vector<1x2048x16xf32>
    %get3A_18 = vector.shape_cast %get3A_17 : vector<1x2048x16xf32> to vector<2048x16xf32>
    %slice3A_19 = vector.extract_strided_slice %get3A_18 {offsets = [0, 0], sizes = [2048, 1], strides = [1, 1]} : vector<2048x16xf32> to vector<2048x1xf32>
    %add3A = arith.addf %slice3A, %slice3A_19 : vector<2048x1xf32>
    %max3A = arith.constant 1.000000e+00 : f32
    %max3A_20 = vector.broadcast %max3A : f32 to vector<2048x1xf32>
    %max3A_21 = arith.maximumf %add3A, %max3A_20 : vector<2048x1xf32>
    %div3A = vector.broadcast %max3A_21 : vector<2048x1xf32> to vector<2048x32xf32>
    %div3A_22 = arith.divf %concatenate3A, %div3A : vector<2048x32xf32>
    %get3A_23 = arith.constant 0 : index
    %get3A_24 = arith.constant 0 : index
    %get3A_25 = vector.load %arg3[%get3A_23, %get3A_24] : memref<2048x32xf32, #tpu.memory_space<vmem>>, vector<2048x32xf32>
    %add3A_26 = arith.addf %div3A_22, %get3A_25 : vector<2048x32xf32>
    %mul3A = arith.mulf %add3A_26, %add3A_26 : vector<2048x32xf32>
    %reduce_sum3A = arith.constant dense<0.000000e+00> : vector<2048xf32>
    %reduce_sum3A_27 = vector.multi_reduction <add>, %mul3A, %reduce_sum3A [1] : vector<2048x32xf32> to vector<2048xf32>
    %broadcast_in_dim3A = vector.shape_cast %reduce_sum3A_27 : vector<2048xf32> to vector<2048x1xf32>
    %sqrt3A = math.sqrt %broadcast_in_dim3A : vector<2048x1xf32>
    %max3A_28 = arith.constant 9.99999996E-13 : f32
    %max3A_29 = vector.broadcast %max3A_28 : f32 to vector<2048x1xf32>
    %max3A_30 = arith.maximumf %sqrt3A, %max3A_29 : vector<2048x1xf32>
    %div3A_31 = vector.broadcast %max3A_30 : vector<2048x1xf32> to vector<2048x32xf32>
    %div3A_32 = arith.divf %add3A_26, %div3A_31 : vector<2048x32xf32>
    %max3A_33 = arith.constant 0.000000e+00 : f32
    %max3A_34 = vector.broadcast %max3A_33 : f32 to vector<2048x32xf32>
    %max3A_35 = arith.maximumf %div3A_32, %max3A_34 : vector<2048x32xf32>
    %get3A_36 = arith.constant 0 : index
    %get3A_37 = arith.constant 0 : index
    %get3A_38 = vector.load %arg4[%get3A_36, %get3A_37] : memref<32x32xf32, #tpu.memory_space<vmem>>, vector<32x32xf32>
    %dot_general3A = arith.constant dense<0.000000e+00> : vector<2048x32xf32>
    %dot_general3A_39 = tpu.matmul %max3A_35, %get3A_38, %dot_general3A {dimension_numbers = #tpu.dot_dimension_numbers<[1], [0], [0], [1], [0, 0, 1, 1], [], []>, transpose_lhs_hint = false} : vector<2048x32xf32>, vector<32x32xf32>, vector<2048x32xf32> -> vector<2048x32xf32>
    %slice3A_40 = vector.extract_strided_slice %dot_general3A_39 {offsets = [0, 0], sizes = [2048, 16], strides = [1, 1]} : vector<2048x32xf32> to vector<2048x16xf32>
    %swap3A = arith.constant 0 : index
    %swap3A_41 = arith.constant 0 : index
    %swap3A_42 = arith.constant 0 : index
    %swap3A_43 = vector.load %arg7[%swap3A, %swap3A_41, %swap3A_42] : memref<2x2048x16xf32, #tpu.memory_space<vmem>>, vector<1x2048x16xf32>
    %swap3A_44 = vector.shape_cast %swap3A_43 : vector<1x2048x16xf32> to vector<2048x16xf32>
    %swap3A_45 = vector.shape_cast %slice3A_40 : vector<2048x16xf32> to vector<1x2048x16xf32>
    tpu.vector_store %arg7[%swap3A, %swap3A_41, %swap3A_42], %swap3A_45 {strides = array<i32>} : memref<2x2048x16xf32, #tpu.memory_space<vmem>>, vector<1x2048x16xf32>,
    %slice3A_46 = vector.extract_strided_slice %dot_general3A_39 {offsets = [0, 16], sizes = [2048, 16], strides = [1, 1]} : vector<2048x32xf32> to vector<2048x16xf32>
    %swap3A_47 = arith.constant 1 : index
    %swap3A_48 = arith.constant 0 : index
    %swap3A_49 = arith.constant 0 : index
    %swap3A_50 = vector.load %arg7[%swap3A_47, %swap3A_48, %swap3A_49] : memref<2x2048x16xf32, #tpu.memory_space<vmem>>, vector<1x2048x16xf32>
    %swap3A_51 = vector.shape_cast %swap3A_50 : vector<1x2048x16xf32> to vector<2048x16xf32>
    %swap3A_52 = vector.shape_cast %slice3A_46 : vector<2048x16xf32> to vector<1x2048x16xf32>
    tpu.vector_store %arg7[%swap3A_47, %swap3A_48, %swap3A_49], %swap3A_52 {strides = array<i32>} : memref<2x2048x16xf32, #tpu.memory_space<vmem>>, vector<1x2048x16xf32>,
    %get3A_53 = arith.constant 0 : index
    %get3A_54 = arith.constant 0 : index
    %get3A_55 = vector.load %arg5[%get3A_53, %get3A_54] : memref<32x32xf32, #tpu.memory_space<vmem>>, vector<32x32xf32>
    %dot_general3A_56 = arith.constant dense<0.000000e+00> : vector<2048x32xf32>
    %dot_general3A_57 = tpu.matmul %max3A_35, %get3A_55, %dot_general3A_56 {dimension_numbers = #tpu.dot_dimension_numbers<[1], [0], [0], [1], [0, 0, 1, 1], [], []>, transpose_lhs_hint = false} : vector<2048x32xf32>, vector<32x32xf32>, vector<2048x32xf32> -> vector<2048x32xf32>
    %get3A_58 = arith.constant 0 : index
    %get3A_59 = arith.constant 0 : index
    %get3A_60 = vector.load %arg6[%get3A_58, %get3A_59] : memref<1x32xf32, #tpu.memory_space<vmem>>, vector<1x32xf32>
    %add3A_61 = vector.broadcast %get3A_60 : vector<1x32xf32> to vector<2048x32xf32>
    %add3A_62 = arith.addf %dot_general3A_57, %add3A_61 : vector<2048x32xf32>
    %swap3A_63 = arith.constant 0 : index
    %swap3A_64 = arith.constant 0 : index
    %swap3A_65 = vector.load %arg8[%swap3A_63, %swap3A_64] : memref<2048x32xf32, #tpu.memory_space<vmem>>, vector<2048x32xf32>
    tpu.vector_store %arg8[%swap3A_63, %swap3A_64], %add3A_62 {strides = array<i32>} : memref<2048x32xf32, #tpu.memory_space<vmem>>, vector<2048x32xf32>,
    %swap3A_66 = arith.constant 0 : index
    %swap3A_67 = arith.constant 0 : index
    %swap3A_68 = vector.load %arg9[%swap3A_66, %swap3A_67] : memref<2048x1xf32, #tpu.memory_space<vmem>>, vector<2048x1xf32>
    tpu.vector_store %arg9[%swap3A_66, %swap3A_67], %max3A_21 {strides = array<i32>} : memref<2048x1xf32, #tpu.memory_space<vmem>>, vector<2048x1xf32>,
    return
  }
  func.func @transform_0(%arg0: i32) -> (i32, i32, i32) {
    %c0_i32 = arith.constant 0 : i32
    %c0_i32_0 = arith.constant 0 : i32
    %c0_i32_1 = arith.constant 0 : i32
    return %c0_i32, %arg0, %c0_i32_0 : i32, i32, i32
  }
  func.func @transform_1(%arg0: i32) -> (i32, i32, i32) {
    %c0_i32 = arith.constant 0 : i32
    %c0_i32_0 = arith.constant 0 : i32
    %c0_i32_1 = arith.constant 0 : i32
    return %c0_i32, %arg0, %c0_i32_0 : i32, i32, i32
  }
  func.func @transform_2(%arg0: i32) -> (i32, i32) {
    %c0_i32 = arith.constant 0 : i32
    %c0_i32_0 = arith.constant 0 : i32
    return %arg0, %c0_i32 : i32, i32
  }
  func.func @transform_3(%arg0: i32) -> (i32, i32) {
    %c0_i32 = arith.constant 0 : i32
    %c0_i32_0 = arith.constant 0 : i32
    %c0_i32_1 = arith.constant 0 : i32
    return %c0_i32, %c0_i32_0 : i32, i32
  }
  func.func @transform_4(%arg0: i32) -> (i32, i32) {
    %c0_i32 = arith.constant 0 : i32
    %c0_i32_0 = arith.constant 0 : i32
    %c0_i32_1 = arith.constant 0 : i32
    return %c0_i32, %c0_i32_0 : i32, i32
  }
  func.func @transform_5(%arg0: i32) -> (i32, i32) {
    %c0_i32 = arith.constant 0 : i32
    %c0_i32_0 = arith.constant 0 : i32
    %c0_i32_1 = arith.constant 0 : i32
    return %c0_i32, %c0_i32_0 : i32, i32
  }
  func.func @transform_6(%arg0: i32) -> (i32, i32, i32) {
    %c0_i32 = arith.constant 0 : i32
    %c0_i32_0 = arith.constant 0 : i32
    %c0_i32_1 = arith.constant 0 : i32
    return %c0_i32, %arg0, %c0_i32_0 : i32, i32, i32
  }
  func.func @transform_7(%arg0: i32) -> (i32, i32) {
    %c0_i32 = arith.constant 0 : i32
    %c0_i32_0 = arith.constant 0 : i32
    return %arg0, %c0_i32 : i32, i32
  }
  func.func @transform_8(%arg0: i32) -> (i32, i32) {
    %c0_i32 = arith.constant 0 : i32
    %c0_i32_0 = arith.constant 0 : i32
    return %arg0, %c0_i32 : i32, i32
  }
}

module attributes {stable_mosaic.version = 14 : i64} {
  func.func @_post_body(%arg0: i32, %arg1: memref<2x2048x16xf32, #tpu.memory_space<vmem>>, %arg2: memref<2048x1xf32, #tpu.memory_space<vmem>>, %arg3: memref<2048x32xf32, #tpu.memory_space<vmem>>, %arg4: memref<2x2048x16xf32, #tpu.memory_space<vmem>>) attributes {dimension_semantics = [#tpu.dimension_semantics<arbitrary>], iteration_bounds = array<i64: 49>, scalar_prefetch = 0 : i64, scratch_operands = 0 : i64, tpu.core_type = #tpu.core_type<tc>, window_params = [{transform_indices = @transform_0, window_bounds = array<i64: 2, 2048, 16>}, {transform_indices = @transform_1, window_bounds = array<i64: 2048, 1>}, {transform_indices = @transform_2, window_bounds = array<i64: 2048, 32>}, {transform_indices = @transform_3, window_bounds = array<i64: 2, 2048, 16>}]} {
    %get3A = arith.constant 0 : index
    %get3A_0 = arith.constant 0 : index
    %get3A_1 = arith.constant 0 : index
    %get3A_2 = vector.load %arg1[%get3A, %get3A_0, %get3A_1] : memref<2x2048x16xf32, #tpu.memory_space<vmem>>, vector<1x2048x16xf32>
    %get3A_3 = vector.shape_cast %get3A_2 : vector<1x2048x16xf32> to vector<2048x16xf32>
    %get3A_4 = arith.constant 1 : index
    %get3A_5 = arith.constant 0 : index
    %get3A_6 = arith.constant 0 : index
    %get3A_7 = vector.load %arg1[%get3A_4, %get3A_5, %get3A_6] : memref<2x2048x16xf32, #tpu.memory_space<vmem>>, vector<1x2048x16xf32>
    %get3A_8 = vector.shape_cast %get3A_7 : vector<1x2048x16xf32> to vector<2048x16xf32>
    %concatenate3A = tpu.concatenate %get3A_3, %get3A_8 in 1 : vector<2048x16xf32>, vector<2048x16xf32> -> vector<2048x32xf32>
    %get3A_9 = arith.constant 0 : index
    %get3A_10 = arith.constant 0 : index
    %get3A_11 = vector.load %arg2[%get3A_9, %get3A_10] : memref<2048x1xf32, #tpu.memory_space<vmem>>, vector<2048x1xf32>
    %div3A = vector.broadcast %get3A_11 : vector<2048x1xf32> to vector<2048x32xf32>
    %div3A_12 = arith.divf %concatenate3A, %div3A : vector<2048x32xf32>
    %get3A_13 = arith.constant 0 : index
    %get3A_14 = arith.constant 0 : index
    %get3A_15 = vector.load %arg3[%get3A_13, %get3A_14] : memref<2048x32xf32, #tpu.memory_space<vmem>>, vector<2048x32xf32>
    %add3A = arith.addf %div3A_12, %get3A_15 : vector<2048x32xf32>
    %mul3A = arith.mulf %add3A, %add3A : vector<2048x32xf32>
    %reduce_sum3A = arith.constant dense<0.000000e+00> : vector<2048xf32>
    %reduce_sum3A_16 = vector.multi_reduction <add>, %mul3A, %reduce_sum3A [1] : vector<2048x32xf32> to vector<2048xf32>
    %broadcast_in_dim3A = vector.shape_cast %reduce_sum3A_16 : vector<2048xf32> to vector<2048x1xf32>
    %sqrt3A = math.sqrt %broadcast_in_dim3A : vector<2048x1xf32>
    %max3A = arith.constant 9.99999996E-13 : f32
    %max3A_17 = vector.broadcast %max3A : f32 to vector<2048x1xf32>
    %max3A_18 = arith.maximumf %sqrt3A, %max3A_17 : vector<2048x1xf32>
    %div3A_19 = vector.broadcast %max3A_18 : vector<2048x1xf32> to vector<2048x32xf32>
    %div3A_20 = arith.divf %add3A, %div3A_19 : vector<2048x32xf32>
    %max3A_21 = arith.constant 0.000000e+00 : f32
    %max3A_22 = vector.broadcast %max3A_21 : f32 to vector<2048x32xf32>
    %max3A_23 = arith.maximumf %div3A_20, %max3A_22 : vector<2048x32xf32>
    %slice3A = vector.extract_strided_slice %max3A_23 {offsets = [0, 0], sizes = [2048, 16], strides = [1, 1]} : vector<2048x32xf32> to vector<2048x16xf32>
    %swap3A = arith.constant 0 : index
    %swap3A_24 = arith.constant 0 : index
    %swap3A_25 = arith.constant 0 : index
    %swap3A_26 = vector.load %arg4[%swap3A, %swap3A_24, %swap3A_25] : memref<2x2048x16xf32, #tpu.memory_space<vmem>>, vector<1x2048x16xf32>
    %swap3A_27 = vector.shape_cast %swap3A_26 : vector<1x2048x16xf32> to vector<2048x16xf32>
    %swap3A_28 = vector.shape_cast %slice3A : vector<2048x16xf32> to vector<1x2048x16xf32>
    tpu.vector_store %arg4[%swap3A, %swap3A_24, %swap3A_25], %swap3A_28 {strides = array<i32>} : memref<2x2048x16xf32, #tpu.memory_space<vmem>>, vector<1x2048x16xf32>,
    %slice3A_29 = vector.extract_strided_slice %max3A_23 {offsets = [0, 16], sizes = [2048, 16], strides = [1, 1]} : vector<2048x32xf32> to vector<2048x16xf32>
    %swap3A_30 = arith.constant 1 : index
    %swap3A_31 = arith.constant 0 : index
    %swap3A_32 = arith.constant 0 : index
    %swap3A_33 = vector.load %arg4[%swap3A_30, %swap3A_31, %swap3A_32] : memref<2x2048x16xf32, #tpu.memory_space<vmem>>, vector<1x2048x16xf32>
    %swap3A_34 = vector.shape_cast %swap3A_33 : vector<1x2048x16xf32> to vector<2048x16xf32>
    %swap3A_35 = vector.shape_cast %slice3A_29 : vector<2048x16xf32> to vector<1x2048x16xf32>
    tpu.vector_store %arg4[%swap3A_30, %swap3A_31, %swap3A_32], %swap3A_35 {strides = array<i32>} : memref<2x2048x16xf32, #tpu.memory_space<vmem>>, vector<1x2048x16xf32>,
    return
  }
  func.func @transform_0(%arg0: i32) -> (i32, i32, i32) {
    %c0_i32 = arith.constant 0 : i32
    %c0_i32_0 = arith.constant 0 : i32
    %c0_i32_1 = arith.constant 0 : i32
    return %c0_i32, %arg0, %c0_i32_0 : i32, i32, i32
  }
  func.func @transform_1(%arg0: i32) -> (i32, i32) {
    %c0_i32 = arith.constant 0 : i32
    %c0_i32_0 = arith.constant 0 : i32
    return %arg0, %c0_i32 : i32, i32
  }
  func.func @transform_2(%arg0: i32) -> (i32, i32) {
    %c0_i32 = arith.constant 0 : i32
    %c0_i32_0 = arith.constant 0 : i32
    return %arg0, %c0_i32 : i32, i32
  }
  func.func @transform_3(%arg0: i32) -> (i32, i32, i32) {
    %c0_i32 = arith.constant 0 : i32
    %c0_i32_0 = arith.constant 0 : i32
    %c0_i32_1 = arith.constant 0 : i32
    return %c0_i32, %arg0, %c0_i32_0 : i32, i32, i32
  }
}

module attributes {stable_mosaic.version = 14 : i64} {
  func.func @_final_body(%arg0: memref<512x16xf32, #tpu.memory_space<vmem>>, %arg1: memref<512x16xf32, #tpu.memory_space<vmem>>, %arg2: memref<512x1xf32, #tpu.memory_space<vmem>>, %arg3: memref<512x1xf32, #tpu.memory_space<vmem>>, %arg4: memref<32x64xf32, #tpu.memory_space<vmem>>, %arg5: memref<1x64xf32, #tpu.memory_space<vmem>>, %arg6: memref<64x32xf32, #tpu.memory_space<vmem>>, %arg7: memref<1x32xf32, #tpu.memory_space<vmem>>, %arg8: memref<32x1xf32, #tpu.memory_space<vmem>>, %arg9: memref<1x1xf32, #tpu.memory_space<vmem>>, %arg10: memref<512x1xf32, #tpu.memory_space<vmem>>) attributes {dimension_semantics = [], scalar_prefetch = 0 : i64, scratch_operands = 0 : i64, tpu.core_type = #tpu.core_type<tc>} {
    %get3A = arith.constant 0 : index
    %get3A_0 = arith.constant 0 : index
    %get3A_1 = vector.load %arg0[%get3A, %get3A_0] : memref<512x16xf32, #tpu.memory_space<vmem>>, vector<512x16xf32>
    %get3A_2 = arith.constant 0 : index
    %get3A_3 = arith.constant 0 : index
    %get3A_4 = vector.load %arg1[%get3A_2, %get3A_3] : memref<512x16xf32, #tpu.memory_space<vmem>>, vector<512x16xf32>
    %concatenate3A = tpu.concatenate %get3A_1, %get3A_4 in 1 : vector<512x16xf32>, vector<512x16xf32> -> vector<512x32xf32>
    %get3A_5 = arith.constant 0 : index
    %get3A_6 = arith.constant 0 : index
    %get3A_7 = vector.load %arg2[%get3A_5, %get3A_6] : memref<512x1xf32, #tpu.memory_space<vmem>>, vector<512x1xf32>
    %get3A_8 = arith.constant 0 : index
    %get3A_9 = arith.constant 0 : index
    %get3A_10 = vector.load %arg3[%get3A_8, %get3A_9] : memref<512x1xf32, #tpu.memory_space<vmem>>, vector<512x1xf32>
    %add3A = arith.addf %get3A_7, %get3A_10 : vector<512x1xf32>
    %max3A = arith.constant 1.000000e+00 : f32
    %max3A_11 = vector.broadcast %max3A : f32 to vector<512x1xf32>
    %max3A_12 = arith.maximumf %add3A, %max3A_11 : vector<512x1xf32>
    %div3A = vector.broadcast %max3A_12 : vector<512x1xf32> to vector<512x32xf32>
    %div3A_13 = arith.divf %concatenate3A, %div3A : vector<512x32xf32>
    %get3A_14 = arith.constant 0 : index
    %get3A_15 = arith.constant 0 : index
    %get3A_16 = vector.load %arg4[%get3A_14, %get3A_15] : memref<32x64xf32, #tpu.memory_space<vmem>>, vector<32x64xf32>
    %dot_general3A = arith.constant dense<0.000000e+00> : vector<512x64xf32>
    %dot_general3A_17 = tpu.matmul %div3A_13, %get3A_16, %dot_general3A {dimension_numbers = #tpu.dot_dimension_numbers<[1], [0], [0], [1], [0, 0, 1, 1], [], []>, transpose_lhs_hint = false} : vector<512x32xf32>, vector<32x64xf32>, vector<512x64xf32> -> vector<512x64xf32>
    %get3A_18 = arith.constant 0 : index
    %get3A_19 = arith.constant 0 : index
    %get3A_20 = vector.load %arg5[%get3A_18, %get3A_19] : memref<1x64xf32, #tpu.memory_space<vmem>>, vector<1x64xf32>
    %add3A_21 = vector.broadcast %get3A_20 : vector<1x64xf32> to vector<512x64xf32>
    %add3A_22 = arith.addf %dot_general3A_17, %add3A_21 : vector<512x64xf32>
    %max3A_23 = arith.constant 0.000000e+00 : f32
    %max3A_24 = vector.broadcast %max3A_23 : f32 to vector<512x64xf32>
    %max3A_25 = arith.maximumf %add3A_22, %max3A_24 : vector<512x64xf32>
    %get3A_26 = arith.constant 0 : index
    %get3A_27 = arith.constant 0 : index
    %get3A_28 = vector.load %arg6[%get3A_26, %get3A_27] : memref<64x32xf32, #tpu.memory_space<vmem>>, vector<64x32xf32>
    %dot_general3A_29 = arith.constant dense<0.000000e+00> : vector<512x32xf32>
    %dot_general3A_30 = tpu.matmul %max3A_25, %get3A_28, %dot_general3A_29 {dimension_numbers = #tpu.dot_dimension_numbers<[1], [0], [0], [1], [0, 0, 1, 1], [], []>, transpose_lhs_hint = false} : vector<512x64xf32>, vector<64x32xf32>, vector<512x32xf32> -> vector<512x32xf32>
    %get3A_31 = arith.constant 0 : index
    %get3A_32 = arith.constant 0 : index
    %get3A_33 = vector.load %arg7[%get3A_31, %get3A_32] : memref<1x32xf32, #tpu.memory_space<vmem>>, vector<1x32xf32>
    %add3A_34 = vector.broadcast %get3A_33 : vector<1x32xf32> to vector<512x32xf32>
    %add3A_35 = arith.addf %dot_general3A_30, %add3A_34 : vector<512x32xf32>
    %max3A_36 = arith.constant 0.000000e+00 : f32
    %max3A_37 = vector.broadcast %max3A_36 : f32 to vector<512x32xf32>
    %max3A_38 = arith.maximumf %add3A_35, %max3A_37 : vector<512x32xf32>
    %get3A_39 = arith.constant 0 : index
    %get3A_40 = arith.constant 0 : index
    %get3A_41 = vector.load %arg8[%get3A_39, %get3A_40] : memref<32x1xf32, #tpu.memory_space<vmem>>, vector<32x1xf32>
    %dot_general3A_42 = arith.constant dense<0.000000e+00> : vector<512x1xf32>
    %dot_general3A_43 = tpu.matmul %max3A_38, %get3A_41, %dot_general3A_42 {dimension_numbers = #tpu.dot_dimension_numbers<[1], [0], [0], [1], [0, 0, 1, 1], [], []>, transpose_lhs_hint = false} : vector<512x32xf32>, vector<32x1xf32>, vector<512x1xf32> -> vector<512x1xf32>
    %get3A_44 = arith.constant 0 : index
    %get3A_45 = arith.constant 0 : index
    %get3A_46 = vector.load %arg9[%get3A_44, %get3A_45] : memref<1x1xf32, #tpu.memory_space<vmem>>, vector<1x1xf32>
    %add3A_47 = vector.broadcast %get3A_46 : vector<1x1xf32> to vector<512x1xf32>
    %add3A_48 = arith.addf %dot_general3A_43, %add3A_47 : vector<512x1xf32>
    %swap3A = arith.constant 0 : index
    %swap3A_49 = arith.constant 0 : index
    %swap3A_50 = vector.load %arg10[%swap3A, %swap3A_49] : memref<512x1xf32, #tpu.memory_space<vmem>>, vector<512x1xf32>
    tpu.vector_store %arg10[%swap3A, %swap3A_49], %add3A_48 {strides = array<i32>} : memref<512x1xf32, #tpu.memory_space<vmem>>, vector<512x1xf32>,
    return
  }
}

</mosaic_0001>

<sc_bundles>
// kernel: kernel.10.cloned.1.call-start
scs
__scs_entry_jumppad:
0x0: {  	(pc) =	sbr.rel $0x88, $3  }
0x1: {  	(tag) =	ssettag $0x0;
	lr =	simm.s32 $0x1  }
0x2: {  	[smem:$0x3F90] =	sst lr;
	_ =	strace $0xD0000000  }
0x3: {  	_ = 	snop  }
0x4: {  	_ = 	snop  }
0x5: {  	_ = 	snop  }
0x6: {  	_ = 	snop  }
0x7: {  	_ = 	snop  }
__scs_overlays_trampoline_lowered:
0x8: {  	[smem:$0x3F9F] =	sst s0  }
0x9: {  	[smem:$0x3FA0] =	sst s1  }
0xa: {  	[smem:$0x3FA1] =	sst s2  }
0xb: {  	[smem:$0x3FA2] =	sst s3  }
0xc: {  	[smem:$0x3FA3] =	sst s4  }
0xd: {  	[smem:$0x3FA4] =	sst s5  }
0xe: {  	[smem:$0x3FA5] =	sst s6  }
0xf: {  	[smem:$0x3FA6] =	sst s7  }
0x10: {  	[smem:$0x3FA7] =	sst s8  }
0x11: {  	[smem:$0x3FA8] =	sst s9;
	s0 =	simm.s32 @!p0 $0x0  }
0x12: {  	s1 =	sld [smem:$0x3F8E];
	s0 =	simm.s32 @p0 $0x1  }
0x13: {  	[smem:$0x3FA9] =	sst s0;
	s0 =	simm.s32 @!p1 $0x0  }
0x14: {  	s2 =	sld [smem:$0x3F8D];
	s0 =	simm.s32 @p1 $0x1  }
0x15: {  	[smem:$0x3FAA] =	sst s0;
	s0 =	simm.s32 @!p2 $0x0  }
0x16: {  	s3 =	sld [smem:$0x3FDB];
	s0 =	simm.s32 @p2 $0x1  }
0x17: {  	s4 =	simm.s32 $0x1BF5;
	[smem:$0x3FAC] =	sst s0  }
0x18: {  	s0 =	sld [smem:$0x3F8F];
	_ =	swait.ge [sflag:s4], $0x0  }
0x19: {  	s7 =	sld [smem:$0x3F90]  }
0x1a: {  	s8 =	sadd.s32 $0xFFFFE003, lr  }
0x1b: {  	s9 =	sadd.s32 $0xFFFFFEF7, lr;
	s5 =	simm.s32 $0xFFFFFFFF;
	p2 =	slt.u32 s8, $0xFFFFF086  }
0x1c: {  	p1 =	slt.u32 s9, $0xF7A;
	s5 =	simm.s32 @!p2 $0x0  }
0x1d: {  	s5 =	simm.s32 @p1 $0x1;
	p0 =	seq.s32 s7, s2  }
0x1e: {  	s7 =	smul.u32 @!p0 $0xF7A, s2;
	p2 =	seq.s32 @!p0 s5, $0x0  }
0x1f: {  	s9 =	smul.u32 $0xF7A, s1;
	s8 =	simm.s32 @!p0 $0x1BF5;
	p2 =	por !p2, p0  }
0x20: {  	[sflag:s8] =	ssyncset.s32 @!p0 $0xFFFFF086;
	s6 =	sadd.s32 @!p0 s3, s7;
	s7 =	simm.s32 @!p0 $0x108  }
0x21: {  	s3 =	sadd.s32 s3, s9;
	s6 =	sadd.s32 @!p0 $0x88, s6;
	s7 =	simm.s32 @p2 $0x1082  }
0x22: {  	[simem:s7], [sflag:s8] =	dma.local @!p0 [hbm:s6], $0xF7A  }
0x23: {  	s9 =	sor.u32 $0xD0000000, s2;
	s6 =	simm.s32 $0x108;
	_ =	swait.ge @!p0 [sflag:s8], $0x0  }
0x24: {  	s3 =	sadd.s32 $0x88, s3;
	s6 =	simm.s32 @!p1 $0x1082;
	[sflag:s4] =	ssyncset.s32 $0xFFFFF086  }
0x25: {  	[simem:s6], [sflag:s4] =	dma.local [hbm:s3], $0xF7A  }
0x26: {  	[smem:$0x3F90] =	sst s1;
	(tag) =	ssettag s2;
	_ =	strace s9  }
0x27: {  	s1 =	sld [smem:$0x3FA0]  }
0x28: {  	s2 =	sld [smem:$0x3FA1]  }
0x29: {  	s4 =	sld [smem:$0x3FA3]  }
0x2a: {  	p0 =	seq.s32 s5, $0x0;
	s5 =	sld [smem:$0x3FA4]  }
0x2b: {  	s6 =	sld [smem:$0x3FA5]  }
0x2c: {  	s7 =	sld [smem:$0x3FA6]  }
0x2d: {  	s3 =	simm.s32 $0x108;
	s8 =	sld [smem:$0x3FA7]  }
0x2e: {  	s3 =	simm.s32 @!p0 $0x1082;
	s9 =	sld [smem:$0x3FA8]  }
0x2f: {  	lr =	sadd.s32 s0, s3;
	s0 =	sld [smem:$0x3F9F]  }
0x30: {  	s3 =	sld [smem:$0x3FA2]  }
0x31: {  	[smem:$0x3FAB] =	sst s10  }
0x32: {  	s10 =	sld [smem:$0x3FA9];
	_ =	sdelay $0x3  }
0x33: {  	p0 =	seq.s32 s10, $0x1;
	s10 =	sld [smem:$0x3FAB];
	_ =	sdelay $0x3  }
0x34: {  	[smem:$0x3FAB] =	sst s10  }
0x35: {  	s10 =	sld [smem:$0x3FAA];
	_ =	sdelay $0x3  }
0x36: {  	p1 =	seq.s32 s10, $0x1;
	s10 =	sld [smem:$0x3FAB];
	_ =	sdelay $0x3  }
0x37: {  	[smem:$0x3FAB] =	sst s10  }
0x38: {  	s10 =	sld [smem:$0x3FAC]  }
0x39: {  	_ = 	snop;
	(pc) =	sbr.ind lr, $3  }
0x3a: {  	_ = 	snop  }
0x3b: {  	_ = 	snop  }
0x3c: {  	p2 =	seq.s32 s10, $0x1;
	s10 =	sld [smem:$0x3FAB]  }
0x3d: {  	_ =	shalt  }
0x3e: {  	_ =	shalt  }
0x3f: {  	_ =	shalt  }
0x40: {  	_ =	shalt  }
0x41: {  	_ =	shalt  }
0x42: {  	_ =	shalt  }
0x43: {  	_ =	shalt  }
0x44: {  	_ =	shalt  }
0x45: {  	_ =	shalt  }
0x46: {  	_ =	shalt  }
0x47: {  	_ =	shalt  }
0x48: {  	_ =	shalt  }
0x49: {  	_ =	shalt  }
0x4a: {  	_ =	shalt  }
0x4b: {  	_ =	shalt  }
0x4c: {  	_ =	shalt  }
0x4d: {  	_ =	shalt  }
0x4e: {  	_ =	shalt  }
0x4f: {  	_ =	shalt  }
0x50: {  	_ =	shalt  }
0x51: {  	_ =	shalt  }
0x52: {  	_ =	shalt  }
0x53: {  	_ =	shalt  }
0x54: {  	_ =	shalt  }
0x55: {  	_ =	shalt  }
0x56: {  	_ =	shalt  }
0x57: {  	_ =	shalt  }
0x58: {  	_ =	shalt  }
0x59: {  	_ =	shalt  }
0x5a: {  	_ =	shalt  }
0x5b: {  	_ =	shalt  }
0x5c: {  	_ =	shalt  }
0x5d: {  	_ =	shalt  }
0x5e: {  	_ =	shalt  }
0x5f: {  	_ =	shalt  }
0x60: {  	_ =	shalt  }
0x61: {  	_ =	shalt  }
0x62: {  	_ =	shalt  }
0x63: {  	_ =	shalt  }
0x64: {  	_ =	shalt  }
0x65: {  	_ =	shalt  }
0x66: {  	_ =	shalt  }
0x67: {  	_ =	shalt  }
0x68: {  	_ =	shalt  }
0x69: {  	_ =	shalt  }
0x6a: {  	_ =	shalt  }
0x6b: {  	_ =	shalt  }
0x6c: {  	_ =	shalt  }
0x6d: {  	_ =	shalt  }
0x6e: {  	_ =	shalt  }
0x6f: {  	_ =	shalt  }
0x70: {  	_ =	shalt  }
0x71: {  	_ =	shalt  }
0x72: {  	_ =	shalt  }
0x73: {  	_ =	shalt  }
0x74: {  	_ =	shalt  }
0x75: {  	_ =	shalt  }
0x76: {  	_ =	shalt  }
0x77: {  	_ =	shalt  }
0x78: {  	_ =	shalt  }
0x79: {  	_ =	shalt  }
0x7a: {  	_ =	shalt  }
0x7b: {  	_ =	shalt  }
0x7c: {  	_ =	shalt  }
0x7d: {  	_ =	shalt  }
0x7e: {  	_ =	shalt  }
0x7f: {  	_ =	shalt  }
0x80: {  	_ =	shalt  }
0x81: {  	_ =	shalt  }
0x82: {  	_ =	shalt  }
0x83: {  	_ =	shalt  }
0x84: {  	_ =	shalt  }
0x85: {  	_ =	shalt  }
0x86: {  	_ =	shalt  }
0x87: {  	_ =	shalt  }
.Lfunc_end0:
.L_simem_size_0:
called_computation_lowered:
.L_overlay_start_0:
0x88: {  	s2 =	sld [smem:$0x3FD9]  }
0x89: {  	s3 =	sld [smem:$0x3FFE];
	_ =	sdelay $0x1  }
0x8a: {  	s1 =	srdreg.scid  }
0x8b: {  	s0 =	sand.u32 $0x1, s1  }
0x8c: {  	s17 =	sshll.u32 s0, $0xA;
	s2 =	sadd.s32 s3, s2  }
0x8d: {  	s2 =	sadd.s32 s2, s17  }
0x8e: {  	[smem:$0x3FB7] =	sst s2  }
0x8f: {  	_ = 	snop  }
0x90: {  	(tm) =	ssettm $0x1  }
0x91: {  	s18 =	sld [smem:$0x3FFB];
	_ =	sdelay $0x3  }
0x92: {  	_ =	strace s18  }
0x93: {  	s2 =	sld [smem:$0x3FFC];
	_ =	sdelay $0x3  }
0x94: {  	_ =	strace s2  }
0x95: {  	s2 =	sld [smem:$0x3FFD];
	_ =	sdelay $0x3  }
0x96: {  	_ =	strace s2  }
0x97: {  	_ =	strace $0x8FFFFFFF  }
0x98: {  	s19 =	sld [smem:$0x3FDB];
	_ =	sdelay $0x1  }
0x99: {  	s20 =	simm.s32 $_scs_section_size  }
0x9a: {  	s4 =	simm.s32 $_size__tile_overlayer_lowered;
	s5 =	simm.s32 $_tile_overlayer_lowered  }
0x9b: {  	s6 =	simm.s32 $0x1BFF;
	s21 =	sshll.u32 s5, $0x1;
	s3 =	sadd.s32 s20, s19  }
0x9c: {  	s22 =	simm.s32 $0x0;
	s4 =	sshll.u32 s4, $0x1;
	s5 =	sadd.s32 s21, s3  }
0x9d: {  	[timem:s22], [sflag:s6] =	dma.local [hbm:s5], s4  }
0x9e: {  	_ =	swait.ge [sflag:s6], s4  }
0x9f: {  	s4 =	ssub.s32 $0x0, s4;
	[sflag:s6] =	ssyncset.done $0x0  }
0xa0: {  	[sflag:s6] =	ssyncadd.s32 s4;
	_ =	sdelay $0x1  }
0xa1: {  	s23 =	simm.s32 $0x1B8B  }
0xa2: {  	_ =	swait.ge [sflag:s23], $0x1  }
0xa3: {  	[sflag:s23] =	ssyncset.done $0x0  }
0xa4: {  	[sflag:s23] =	ssyncadd.s32 $0xFFFFFFFF  }
0xa5: {  	s4 =	sld [smem:$0x0]  }
0xa6: {  	s5 =	sand.u32 $0xFFFFFFFE, s1  }
0xa7: {  	p0 =	sne.s32 s1, s5  }
0xa8: {  	s5 =	sshll.u32 @p0 s5, $0xE  }
0xa9: {  	s5 =	sadd.s32 @p0 $0x11B8D, s5;
	s6 =	sshll.u32 @p0 s4, $0x11  }
0xaa: {  	s5 =	sor.u32 @p0 s6, s5  }
0xab: {  	[sflag:s5] =	ssyncadd.remote.s32 @p0 $0x1;
	_ =	sdelay $0x1  }
0xac: {  	s5 =	simm.s32 @p0 $0x1B8D  }
0xad: {  	_ =	swait.eq @p0 [sflag:s5], $0x1  }
0xae: {  	[sflag:s5] =	ssyncadd.s32 @p0 $0xFFFFFFFF  }
0xaf: {  	s6 =	sshll.u32 @!p0 s1, $0xE  }
0xb0: {  	s6 =	sor.u32 @!p0 $0x4000, s6;
	s5 =	simm.s32 @!p0 $0x1B8D  }
0xb1: {  	s4 =	sshll.u32 @!p0 s4, $0x11;
	s6 =	sadd.s32 @!p0 $0x11B8D, s6;
	_ =	swait.eq @!p0 [sflag:s5], $0x1  }
0xb2: {  	s4 =	sor.u32 @!p0 s4, s6;
	[sflag:s5] =	ssyncadd.s32 @!p0 $0xFFFFFFFF  }
0xb3: {  	s25 =	simm.s32 $0x1B8E;
	s24 =	sld [smem:$0x3FFE];
	[sflag:s4] =	ssyncadd.remote.s32 @!p0 $0x1  }
0xb4: {  	s26 =	simm.s32 $execute0_lowered;
	[smem:$0x3FD2] =	sst s25  }
0xb5: {  	s5 =	sshll.u32 s26, $0x1;
	_ =	strace $0x80000049;
	[dreg:$0x1] =	wrdreg $0xFFFFFFFF  }
0xb6: {  	s28 =	simm.s32 $_size_execute0_lowered;
	s3 =	sadd.s32 s3, s5;
	[dreg:$0x0] =	wrdreg $0x0  }
0xb7: {  	s5 =	sshll.u32 s28, $0x1;
	[dreg:$0x2] =	wrdreg s3  }
0xb8: {  	[dreg:$0x3] =	wrdreg s5  }
0xb9: {  	[dreg:$0x4] =	wrdreg $0xC0  }
0xba: {  	_ =	task [dreg:s22], $0x5FFFF  }
0xbb: {  	[dreg:$0x1] =	wrdreg $0xFFFFFFFF  }
0xbc: {  	[dreg:$0x0] =	wrdreg $0x60  }
0xbd: {  	[dreg:$0x2] =	wrdreg s24  }
0xbe: {  	[dreg:$0x3] =	wrdreg $0x22800  }
0xbf: {  	[dreg:$0x4] =	wrdreg $0x1AA800  }
0xc0: {  	[dreg:$0x5] =	wrdreg $0x9  }
0xc1: {  	_ =	task.clear_ibuf [dreg:s22], $0x6FFFF;
	_ =	strace $0x90000049  }
0xc2: {  	s29 =	simm.s32 $0x9;
	_ =	strace $0x8000004B  }
0xc3: {  	_ =	swait.ge [sflag:s29], $0x1  }
0xc4: {  	[sflag:s29] =	ssyncadd.s32 $0xFFFFFFFF  }
0xc5: {  	_ =	strace $0x9000004B  }
0xc6: {  	_ =	sfence  }
0xc7: {  	s30 =	sld [smem:$0x0];
	_ =	sdelay $0x2  }
0xc8: {  	s31 =	sshll.u32 s1, $0xD;
	s1 =	sshrl.u32 s1, $0x2  }
0xc9: {  	s4 =	sand.u32 $0x4000, s31;
	s1 =	sadd.s32 s1, s30  }
0xca: {  	s0 =	sor.u32 s4, s0;
	s1 =	sshll.u32 s1, $0x11  }
0xcb: {  	s0 =	sor.u32 s1, s0  }
0xcc: {  	s0 =	sadd.s32 $0x8F2B, s0  }
0xcd: {  	[sflag:s0] =	ssyncadd.remote.s32 $0x1  }
0xce: {  	_ =	sfence.sel $0xFFFF  }
0xcf: {  	[dreg:$0x0] =	wrdreg $0xFFFFFFFF;
	(pc) =	sbr.abs _section_cstart, $3  }
0xd0: {  	[dreg:$0x1] =	wrdreg $0xFFFFFFFF  }
0xd1: {  	_ =	task.clear_ibuf [dreg:s22], $0x2FFFF;
	_ =	strace $0x9FFFFFFF  }
0xd2: {  	(tm) =	ssettm $0x7FFFFFFF  }
0xd3: {  	_ =	shalt  }
tec
execute0_lowered:
.L_overlay_start_1:
0x0: {  	(tag) =	ssettag $0x1  }
0x1: {  	s6 =	rddreg [dreg:$0x0]  }
0x2: {  	s1 =	srdreg.scid;
	s0 =	rddreg [dreg:$0x1]  }
0x3: {  	s13 =	stileid.u32;
	s2 =	rddreg [dreg:$0x2]  }
0x4: {  	s3 =	simm.s32 $0x0;
	s16 =	simm.s32 $0x280;
	s7 =	smul.u32 $0xC800, s13  }
0x5: {  	s17 =	simm.s32 $0x200;
	s18 =	simm.s32 $0x80;
	s9 =	smul.u32 $0xC80, s13  }
0x6: {  	s5 =	sand.u32 $0x1, s1;
	s1 =	rddreg [dreg:$0x3];
	s24 =	smul.u32 $0x18800, s13  }
0x7: {  	s19 =	simm.s32 $0x0;
	[smem:$0x7FF] =	sst s3;
	s4 =	smul.u32 $0xC8000, s5  }
0x8: {  	s31 =	sshll.u32 s13, $0x6;
	p0 =	sne.s32 s13, $0x0;
	s8 =	smul.u32 $0xC800, s5  }
0x9: {  	_ =	strace $0x8000004A;
	s25 =	smul.u32 $0x188000, s5;
	s10 =	ssub.s32 $0x2, s5  }
0xa: {  	s28 =	smul.u32 $0x410, s5;
	s5 =	sadd.s32 $0xFB800, s6;
	s14 =	sshrl.u32 s10, $0x1  }
0xb: {  	s29 =	sadd.s32 s24, s0;
	s30 =	sshrl.u32 s24, $0x3;
	s4 =	sadd.s32 s7, s4  }
0xc: {  	s23 =	sadd.s32 s9, s8;
	s26 =	sadd.s32 s24, s25;
	s9 =	sadd.s32 s28, s6  }
0xd: {  	s10 =	ssub.s32 s10, s14;
	s13 =	sshrl.u32 s29, $0x3;
	s14 =	simm.s32 $0x1  }
0xe: {  	s4 =	sshrl.u32 s4, $0x3;
	s7 =	sshrl.u32 s23, $0x3;
	s9 =	sadd.s32 $0x1F3E00, s9  }
0xf: {  	s10 =	smax.u32 s10, $0x1;
	s12 =	sadd.s32 s7, s6;
	s7 =	sshrl.u32 s26, $0x3  }
0x10: {  	s11 =	sadd.s32 s4, s6;
	s4 =	sadd.s32 $0x191A00, s6;
	s15 =	sadd.s32 s7, s6  }
0x11: {  	s6 =	sadd.s32 s5, s30;
	s7 =	sor.u32 $0x1C01, s31;
	s11 =	sadd.s32 $0x3800, s11  }
0x12: {  	s12 =	sadd.s32 $0x18E800, s12;
	s8 =	sadd.s32 $0x191E00, s15;
	s15 =	sshrl.u32 @!p0 s2, $0x3  }
.LBB2_1:
0x13: {  	[spmem:s13], [sflag:s7] =	dma.local [hbm:s6], $0x3100  }
0x14: {  	_ =	swait.ge [sflag:s14], $0x3100  }
0x15: {  	[sflag:s14] =	ssyncset.done $0x0  }
0x16: {  	s20 =	simm.s32 @!p0 $0x1;
	[sflag:s14] =	ssyncadd.s32 $0xFFFFCF00  }
0x17: {  	[spmem:s15], [sflag:s7] =	dma.local @!p0 [hbm:s5], $0x410  }
0x18: {  	_ =	swait.ge @!p0 [sflag:s20], $0x410  }
0x19: {  	[sflag:s20] =	ssyncset.done @!p0 $0x0  }
0x1a: {  	[sflag:s20] =	ssyncadd.s32 @!p0 $0xFFFFFBF0  }
0x1b: {  	[tilespmem:s16], [sflag:$0x1] =	stream.linear.gather [hbm4b:s4+s3], $0x2000, $0x38;
	[tilespmem:$0x1AC88] =	vst v63  }
0x1c: {  	_ =	swait.ge [sflag:s14], $0x2000  }
0x1d: {  	[sflag:s14] =	ssyncset.done $0x0  }
0x1e: {  	[sflag:s14] =	ssyncadd.s32 $0xFFFFE000  }
0x1f: {  	s31 =	sadd.s32 $0x0, s11;
	[bflag:$0x0] =	sbarrier.arrive $0xFFFF  }
0x20: {  	[tilespmem:s3], [sflag:$0x1] =	stream.linear.gather [hbm4b:s31+s3], $0x200, $0x38;
	[tilespmem:$0x1AC88] =	vst v63  }
0x21: {  	_ =	swait.ge [sflag:s14], $0x200  }
0x22: {  	[sflag:s14] =	ssyncset.done $0x0  }
0x23: {  	[sflag:s14] =	ssyncadd.s32 $0xFFFFFE00  }
0x24: {  	[spmem:s0] =	stream.indirect.scatter.add.f32 [tilespmem:s16], [sflag:$0x1], $0x10, s3, s17, $0xb8;
	[tilespmem:$0x1AC88] =	vst v63  }
0x25: {  	_ =	swait.ge [sflag:s14], $0x2000  }
0x26: {  	s22 =	sadd.s32 $0x40, s11;
	s21 =	simm.s32 $0x80;
	[sflag:s14] =	ssyncset.done $0x0  }
.LBB2_2:
0x27: {  	s23 =	sadd.s32 s21, s11;
	s20 =	simm.s32 $0x0;
	[sflag:s14] =	ssyncadd.s32 $0xFFFFE000  }
0x28: {  	[tilespmem:s20], [sflag:$0x1] =	stream.linear.gather [hbm4b:s22+s20], $0x200, $0x38;
	[tilespmem:$0x1AC88] =	vst v63  }
0x29: {  	p1 =	sne.s32 s21, $0x18C0;
	s21 =	sadd.s32 $0x40, s21;
	_ =	swait.ge [sflag:s14], $0x200  }
.Ltmp0:
0x2a: {  	s22 =	smov.u32 s23;
	[sflag:s14] =	ssyncset.done $0x0;
	(pc) =	sbr.rel @p1 .LBB2_2-.Ltmp0, $4  }
0x2b: {  	[sflag:s14] =	ssyncadd.s32 $0xFFFFFE00  }
0x2c: {  	[spmem:s0] =	stream.indirect.scatter.add.f32 [tilespmem:s16], [sflag:$0x1], $0x10, s20, s17, $0xb8;
	[tilespmem:$0x1AC88] =	vst v63  }
0x2d: {  	_ =	swait.ge [sflag:s14], $0x2000  }
0x2e: {  	[sflag:s14] =	ssyncset.done $0x0  }
0x2f: {  	[sflag:s14] =	ssyncadd.s32 $0xFFFFE000  }
0x30: {  	[tilespmem:s20], [sflag:$0x1] =	stream.linear.gather [hbm4b:s22+s20], $0x200, $0x38;
	[tilespmem:$0x1AC88] =	vst v63  }
0x31: {  	_ =	swait.ge [sflag:s14], $0x200  }
0x32: {  	p2 =	por $0x1, $0x1;
	[sflag:s14] =	ssyncset.done $0x0  }
.Ltmp1:
0x33: {  	[sflag:s14] =	ssyncadd.s32 $0xFFFFFE00;
	(pc) =	sbr.rel @!p2 .LBB2_8-.Ltmp1, $4  }
0x34: {  	[spmem:s0] =	stream.indirect.scatter.add.f32 [tilespmem:s16], [sflag:$0x1], $0x10, s20, s17, $0xb8;
	[tilespmem:$0x1AC88] =	vst v63  }
0x35: {  	_ =	swait.ge [sflag:s14], $0x2000  }
0x36: {  	[sflag:s14] =	ssyncset.done $0x0  }
0x37: {  	s21 =	simm.s32 $0x10;
	p1 =	por $0x0, $0x0;
	[sflag:s14] =	ssyncadd.s32 $0xFFFFE000  }
0x38: {  	s20 =	sadd.s32 $0x0, s12  }
0x39: {  	[tilespmem:s17], [sflag:$0x1] =	stream.linear.gather [hbm4b:s20+s3], $0x80, $0x38;
	[tilespmem:$0x1AC88] =	vst v63  }
0x3a: {  	p2 =	por $0x1, $0x1;
	_ =	swait.ge [sflag:s14], $0x80  }
.Ltmp2:
0x3b: {  	[sflag:s14] =	ssyncset.done $0x0;
	(pc) =	sbr.rel @!p2 .LBB2_5-.Ltmp2, $4  }
0x3c: {  	[sflag:s14] =	ssyncadd.s32 $0xFFFFFF80  }
0x3d: {  	[spmem:s2] =	stream.indirect.scatter.add.f32 [tilespmem:s16], [sflag:$0x1], $0x10, s17, s18, $0xb8;
	[tilespmem:$0x1AC88] =	vst v63  }
0x3e: {  	_ =	swait.ge [sflag:s14], $0x800  }
0x3f: {  	p1 =	por $0x1, $0x1;
	s20 =	simm.s32 $0x20;
	[sflag:s14] =	ssyncset.done $0x0  }
.LBB2_6:
0x40: {  	s22 =	sadd.s32 s21, s12  }
0x41: {  	[sflag:s14] =	ssyncadd.s32 $0xFFFFF800;
	s21 =	smov.u32 s20;
	s23 =	sadd.s32 $0x10, s20  }
0x42: {  	[tilespmem:s17], [sflag:$0x1] =	stream.linear.gather [hbm4b:s22+s3], $0x80, $0x38;
	[tilespmem:$0x1AC88] =	vst v63  }
0x43: {  	p2 =	sne.s32 s20, $0x180;
	_ =	swait.ge [sflag:s14], $0x80  }
.Ltmp3:
0x44: {  	[sflag:s14] =	ssyncset.done $0x0;
	(pc) =	sbr.rel @p2 .LBB2_6-.Ltmp3, $4  }
0x45: {  	[sflag:s14] =	ssyncadd.s32 $0xFFFFFF80  }
0x46: {  	[spmem:s2] =	stream.indirect.scatter.add.f32 [tilespmem:s16], [sflag:$0x1], $0x10, s17, s18, $0xb8;
	[tilespmem:$0x1AC88] =	vst v63  }
0x47: {  	_ =	swait.ge [sflag:s14], $0x800  }
0x48: {  	s20 =	smov.u32 s23;
	[sflag:s14] =	ssyncset.done $0x0  }
0x49: {  	s20 =	smov.u32 s21  }
.LBB2_8:
0x4a: {  	s20 =	sadd.s32 s20, s12;
	[sflag:s14] =	ssyncadd.s32 @p1 $0xFFFFF800  }
0x4b: {  	[tilespmem:s17], [sflag:$0x1] =	stream.linear.gather [hbm4b:s20+s3], $0x80, $0x38;
	[tilespmem:$0x1AC88] =	vst v63  }
0x4c: {  	_ =	swait.ge [sflag:s14], $0x80  }
0x4d: {  	[sflag:s14] =	ssyncset.done $0x0  }
0x4e: {  	[sflag:s14] =	ssyncadd.s32 $0xFFFFFF80  }
0x4f: {  	[spmem:s2] =	stream.indirect.scatter.add.f32 [tilespmem:s16], [sflag:$0x1], $0x10, s17, s18, $0xb8;
	[tilespmem:$0x1AC88] =	vst v63  }
0x50: {  	_ =	swait.ge [sflag:s14], $0x800  }
0x51: {  	[sflag:s14] =	ssyncset.done $0x0  }
0x52: {  	[sflag:s14] =	ssyncadd.s32 $0xFFFFF800  }
0x53: {  	[bflag:$0x0] =	sbarrier.arrive $0xFFFF  }
0x54: {  	[hbm:s8], [sflag:s7] =	dma.local [spmem:s13], $0x3100  }
0x55: {  	_ =	swait.ge [sflag:s14], $0x3100  }
0x56: {  	s19 =	sadd.s32 $0x1, s19;
	[sflag:s14] =	ssyncset.done $0x0  }
0x57: {  	p1 =	sne.s32 s19, s10;
	[sflag:s14] =	ssyncadd.s32 $0xFFFFCF00  }
0x58: {  	[hbm:s9], [sflag:s7] =	dma.local @!p0 [spmem:s15], $0x410  }
.Ltmp4:
0x59: {  	_ = 	snop;
	(pc) =	sbr.rel @p1 .LBB2_1-.Ltmp4, $4  }
.Ltmp5:
0x5a: {  	s20 =	simm.s32 @!p0 $0x1;
	(pc) =	sbr.rel @!p1 .LBB2_9-.Ltmp5, $4  }
0x5b: {  	_ =	swait.ge @!p0 [sflag:s20], $0x410  }
0x5c: {  	[sflag:s20] =	ssyncset.done @!p0 $0x0  }
0x5d: {  	[sflag:s20] =	ssyncadd.s32 @!p0 $0xFFFFFBF0  }
0x5e: {  	_ = 	snop  }
.LBB2_5:
.Ltmp6:
0x5f: {  	(pc) =	sbr.rel .LBB2_8-.Ltmp6, $2  }
0x60: {  	_ =	sdelay $0x2  }
0x61: {  	s20 =	simm.s32 $0x10  }
.LBB2_9:
0x62: {  	_ =	sfence.sel $0x180000  }
0x63: {  	[bflag:$0x0] =	sbarrier.arrive $0xFFFF  }
0x64: {  	_ =	strace $0x9000004A  }
0x65: {  	s0 =	sadd.s32 @!p0 $0x100000, s1;
	[bflag:$0x2] =	sbarrier.arrive $0xFFFF  }
0x66: {  	[sflag:s0] =	ssyncadd.tile.s32 @!p0 $0x1;
	_ =	shalt  }
.Lfunc_end2:
_tile_overlayer_lowered:
.L_overlay_start_2:
0x67: {  	(tag) =	ssettag $0x2  }
0x68: {  	s0 =	rddreg [dreg:$0x0];
	s2 =	stileid.u32  }
0x69: {  	s1 =	rddreg [dreg:$0x1];
	p0 =	sne.s32 s2, $0x0  }
0x6a: {  	s3 =	rddreg [dreg:$0x2];
	[bflag:$0x3] =	sbarrier.arrive $0xFFFF;
	s2 =	simm.s32 @!p0 $0x1C01  }
0x6b: {  	[timem:s3], [sflag:s2] =	dma.local @!p0 [hbm:s0], s1  }
0x6c: {  	s0 =	simm.s32 @!p0 $0x1  }
0x6d: {  	_ =	swait.ge @!p0 [sflag:s0], s1  }
0x6e: {  	s1 =	ssub.s32 @!p0 $0x0, s1;
	[sflag:s0] =	ssyncset.done @!p0 $0x0  }
0x6f: {  	[sflag:s0] =	ssyncadd.s32 @!p0 s1  }
0x70: {  	[bflag:$0x3] =	sbarrier.arrive $0xFFFF  }
0x71: {  	_ =	shalt  }

// kernel: kernel.13.cloned.1.call-start
scs
__scs_entry_jumppad:
0x0: {  	(pc) =	sbr.rel $0x88, $3  }
0x1: {  	(tag) =	ssettag $0x0;
	lr =	simm.s32 $0x1  }
0x2: {  	[smem:$0x3F90] =	sst lr;
	_ =	strace $0xD0000000  }
0x3: {  	_ = 	snop  }
0x4: {  	_ = 	snop  }
0x5: {  	_ = 	snop  }
0x6: {  	_ = 	snop  }
0x7: {  	_ = 	snop  }
__scs_overlays_trampoline_lowered:
0x8: {  	[smem:$0x3F9F] =	sst s0  }
0x9: {  	[smem:$0x3FA0] =	sst s1  }
0xa: {  	[smem:$0x3FA1] =	sst s2  }
0xb: {  	[smem:$0x3FA2] =	sst s3  }
0xc: {  	[smem:$0x3FA3] =	sst s4  }
0xd: {  	[smem:$0x3FA4] =	sst s5  }
0xe: {  	[smem:$0x3FA5] =	sst s6  }
0xf: {  	[smem:$0x3FA6] =	sst s7  }
0x10: {  	[smem:$0x3FA7] =	sst s8  }
0x11: {  	[smem:$0x3FA8] =	sst s9;
	s0 =	simm.s32 @!p0 $0x0  }
0x12: {  	s1 =	sld [smem:$0x3F8E];
	s0 =	simm.s32 @p0 $0x1  }
0x13: {  	[smem:$0x3FA9] =	sst s0;
	s0 =	simm.s32 @!p1 $0x0  }
0x14: {  	s2 =	sld [smem:$0x3F8D];
	s0 =	simm.s32 @p1 $0x1  }
0x15: {  	[smem:$0x3FAA] =	sst s0;
	s0 =	simm.s32 @!p2 $0x0  }
0x16: {  	s3 =	sld [smem:$0x3FDB];
	s0 =	simm.s32 @p2 $0x1  }
0x17: {  	s4 =	simm.s32 $0x1BF5;
	[smem:$0x3FAC] =	sst s0  }
0x18: {  	s0 =	sld [smem:$0x3F8F];
	_ =	swait.ge [sflag:s4], $0x0  }
0x19: {  	s7 =	sld [smem:$0x3F90]  }
0x1a: {  	s8 =	sadd.s32 $0xFFFFE003, lr  }
0x1b: {  	s9 =	sadd.s32 $0xFFFFFEF7, lr;
	s5 =	simm.s32 $0xFFFFFFFF;
	p2 =	slt.u32 s8, $0xFFFFF086  }
0x1c: {  	p1 =	slt.u32 s9, $0xF7A;
	s5 =	simm.s32 @!p2 $0x0  }
0x1d: {  	s5 =	simm.s32 @p1 $0x1;
	p0 =	seq.s32 s7, s2  }
0x1e: {  	s7 =	smul.u32 @!p0 $0xF7A, s2;
	p2 =	seq.s32 @!p0 s5, $0x0  }
0x1f: {  	s9 =	smul.u32 $0xF7A, s1;
	s8 =	simm.s32 @!p0 $0x1BF5;
	p2 =	por !p2, p0  }
0x20: {  	[sflag:s8] =	ssyncset.s32 @!p0 $0xFFFFF086;
	s6 =	sadd.s32 @!p0 s3, s7;
	s7 =	simm.s32 @!p0 $0x108  }
0x21: {  	s3 =	sadd.s32 s3, s9;
	s6 =	sadd.s32 @!p0 $0x88, s6;
	s7 =	simm.s32 @p2 $0x1082  }
0x22: {  	[simem:s7], [sflag:s8] =	dma.local @!p0 [hbm:s6], $0xF7A  }
0x23: {  	s9 =	sor.u32 $0xD0000000, s2;
	s6 =	simm.s32 $0x108;
	_ =	swait.ge @!p0 [sflag:s8], $0x0  }
0x24: {  	s3 =	sadd.s32 $0x88, s3;
	s6 =	simm.s32 @!p1 $0x1082;
	[sflag:s4] =	ssyncset.s32 $0xFFFFF086  }
0x25: {  	[simem:s6], [sflag:s4] =	dma.local [hbm:s3], $0xF7A  }
0x26: {  	[smem:$0x3F90] =	sst s1;
	(tag) =	ssettag s2;
	_ =	strace s9  }
0x27: {  	s1 =	sld [smem:$0x3FA0]  }
0x28: {  	s2 =	sld [smem:$0x3FA1]  }
0x29: {  	s4 =	sld [smem:$0x3FA3]  }
0x2a: {  	p0 =	seq.s32 s5, $0x0;
	s5 =	sld [smem:$0x3FA4]  }
0x2b: {  	s6 =	sld [smem:$0x3FA5]  }
0x2c: {  	s7 =	sld [smem:$0x3FA6]  }
0x2d: {  	s3 =	simm.s32 $0x108;
	s8 =	sld [smem:$0x3FA7]  }
0x2e: {  	s3 =	simm.s32 @!p0 $0x1082;
	s9 =	sld [smem:$0x3FA8]  }
0x2f: {  	lr =	sadd.s32 s0, s3;
	s0 =	sld [smem:$0x3F9F]  }
0x30: {  	s3 =	sld [smem:$0x3FA2]  }
0x31: {  	[smem:$0x3FAB] =	sst s10  }
0x32: {  	s10 =	sld [smem:$0x3FA9];
	_ =	sdelay $0x3  }
0x33: {  	p0 =	seq.s32 s10, $0x1;
	s10 =	sld [smem:$0x3FAB];
	_ =	sdelay $0x3  }
0x34: {  	[smem:$0x3FAB] =	sst s10  }
0x35: {  	s10 =	sld [smem:$0x3FAA];
	_ =	sdelay $0x3  }
0x36: {  	p1 =	seq.s32 s10, $0x1;
	s10 =	sld [smem:$0x3FAB];
	_ =	sdelay $0x3  }
0x37: {  	[smem:$0x3FAB] =	sst s10  }
0x38: {  	s10 =	sld [smem:$0x3FAC]  }
0x39: {  	_ = 	snop;
	(pc) =	sbr.ind lr, $3  }
0x3a: {  	_ = 	snop  }
0x3b: {  	_ = 	snop  }
0x3c: {  	p2 =	seq.s32 s10, $0x1;
	s10 =	sld [smem:$0x3FAB]  }
0x3d: {  	_ =	shalt  }
0x3e: {  	_ =	shalt  }
0x3f: {  	_ =	shalt  }
0x40: {  	_ =	shalt  }
0x41: {  	_ =	shalt  }
0x42: {  	_ =	shalt  }
0x43: {  	_ =	shalt  }
0x44: {  	_ =	shalt  }
0x45: {  	_ =	shalt  }
0x46: {  	_ =	shalt  }
0x47: {  	_ =	shalt  }
0x48: {  	_ =	shalt  }
0x49: {  	_ =	shalt  }
0x4a: {  	_ =	shalt  }
0x4b: {  	_ =	shalt  }
0x4c: {  	_ =	shalt  }
0x4d: {  	_ =	shalt  }
0x4e: {  	_ =	shalt  }
0x4f: {  	_ =	shalt  }
0x50: {  	_ =	shalt  }
0x51: {  	_ =	shalt  }
0x52: {  	_ =	shalt  }
0x53: {  	_ =	shalt  }
0x54: {  	_ =	shalt  }
0x55: {  	_ =	shalt  }
0x56: {  	_ =	shalt  }
0x57: {  	_ =	shalt  }
0x58: {  	_ =	shalt  }
0x59: {  	_ =	shalt  }
0x5a: {  	_ =	shalt  }
0x5b: {  	_ =	shalt  }
0x5c: {  	_ =	shalt  }
0x5d: {  	_ =	shalt  }
0x5e: {  	_ =	shalt  }
0x5f: {  	_ =	shalt  }
0x60: {  	_ =	shalt  }
0x61: {  	_ =	shalt  }
0x62: {  	_ =	shalt  }
0x63: {  	_ =	shalt  }
0x64: {  	_ =	shalt  }
0x65: {  	_ =	shalt  }
0x66: {  	_ =	shalt  }
0x67: {  	_ =	shalt  }
0x68: {  	_ =	shalt  }
0x69: {  	_ =	shalt  }
0x6a: {  	_ =	shalt  }
0x6b: {  	_ =	shalt  }
0x6c: {  	_ =	shalt  }
0x6d: {  	_ =	shalt  }
0x6e: {  	_ =	shalt  }
0x6f: {  	_ =	shalt  }
0x70: {  	_ =	shalt  }
0x71: {  	_ =	shalt  }
0x72: {  	_ =	shalt  }
0x73: {  	_ =	shalt  }
0x74: {  	_ =	shalt  }
0x75: {  	_ =	shalt  }
0x76: {  	_ =	shalt  }
0x77: {  	_ =	shalt  }
0x78: {  	_ =	shalt  }
0x79: {  	_ =	shalt  }
0x7a: {  	_ =	shalt  }
0x7b: {  	_ =	shalt  }
0x7c: {  	_ =	shalt  }
0x7d: {  	_ =	shalt  }
0x7e: {  	_ =	shalt  }
0x7f: {  	_ =	shalt  }
0x80: {  	_ =	shalt  }
0x81: {  	_ =	shalt  }
0x82: {  	_ =	shalt  }
0x83: {  	_ =	shalt  }
0x84: {  	_ =	shalt  }
0x85: {  	_ =	shalt  }
0x86: {  	_ =	shalt  }
0x87: {  	_ =	shalt  }
.Lfunc_end0:
.L_simem_size_0:
called_computation.1_lowered:
.L_overlay_start_0:
0x88: {  	s2 =	sld [smem:$0x3FD9]  }
0x89: {  	s3 =	sld [smem:$0x3FFE];
	_ =	sdelay $0x1  }
0x8a: {  	s1 =	srdreg.scid  }
0x8b: {  	s0 =	sand.u32 $0x1, s1  }
0x8c: {  	s16 =	sshll.u32 s0, $0xA;
	s2 =	sadd.s32 s3, s2  }
0x8d: {  	s2 =	sadd.s32 s2, s16  }
0x8e: {  	[smem:$0x3FB7] =	sst s2  }
0x8f: {  	_ = 	snop  }
0x90: {  	(tm) =	ssettm $0x1  }
0x91: {  	s17 =	sld [smem:$0x3FFB];
	_ =	sdelay $0x3  }
0x92: {  	_ =	strace s17  }
0x93: {  	s2 =	sld [smem:$0x3FFC];
	_ =	sdelay $0x3  }
0x94: {  	_ =	strace s2  }
0x95: {  	s2 =	sld [smem:$0x3FFD];
	_ =	sdelay $0x3  }
0x96: {  	_ =	strace s2  }
0x97: {  	_ =	strace $0x8FFFFFFF  }
0x98: {  	s18 =	sld [smem:$0x3FDB];
	_ =	sdelay $0x1  }
0x99: {  	s19 =	simm.s32 $_scs_section_size  }
0x9a: {  	s4 =	simm.s32 $_size__tile_overlayer_lowered;
	s5 =	simm.s32 $_tile_overlayer_lowered  }
0x9b: {  	s22 =	simm.s32 $0x1BFF;
	s21 =	sshll.u32 s5, $0x1;
	s2 =	sadd.s32 s19, s18  }
0x9c: {  	s6 =	simm.s32 $0x0;
	s20 =	sshll.u32 s4, $0x1;
	s4 =	sadd.s32 s21, s2  }
0x9d: {  	[timem:s6], [sflag:s22] =	dma.local [hbm:s4], s20  }
0x9e: {  	_ =	swait.ge [sflag:s22], s20  }
0x9f: {  	s3 =	ssub.s32 $0x0, s20;
	[sflag:s22] =	ssyncset.done $0x0  }
0xa0: {  	[sflag:s22] =	ssyncadd.s32 s3;
	_ =	sdelay $0x1  }
0xa1: {  	s23 =	simm.s32 $0x1B8B  }
0xa2: {  	_ =	swait.ge [sflag:s23], $0x1  }
0xa3: {  	[sflag:s23] =	ssyncset.done $0x0  }
0xa4: {  	s25 =	simm.s32 $0x1B8E;
	s24 =	sld [smem:$0x3FFE];
	[sflag:s23] =	ssyncadd.s32 $0xFFFFFFFF  }
0xa5: {  	s26 =	simm.s32 $execute0_lowered;
	[smem:$0x3FD2] =	sst s25  }
0xa6: {  	s4 =	sshll.u32 s26, $0x1;
	_ =	strace $0x80000046;
	[dreg:$0x1] =	wrdreg $0xFFFFFFFF  }
0xa7: {  	s28 =	simm.s32 $_size_execute0_lowered;
	s2 =	sadd.s32 s2, s4;
	[dreg:$0x0] =	wrdreg $0x0  }
0xa8: {  	s4 =	sshll.u32 s28, $0x1;
	[dreg:$0x2] =	wrdreg s2  }
0xa9: {  	[dreg:$0x3] =	wrdreg s4  }
0xaa: {  	[dreg:$0x4] =	wrdreg $0xC0  }
0xab: {  	_ =	task [dreg:s6], $0x5FFFF  }
0xac: {  	[dreg:$0x1] =	wrdreg $0xFFFFFFFF  }
0xad: {  	[dreg:$0x0] =	wrdreg $0x60  }
0xae: {  	[dreg:$0x2] =	wrdreg s24  }
0xaf: {  	[dreg:$0x3] =	wrdreg $0x4C000  }
0xb0: {  	[dreg:$0x4] =	wrdreg $0xA  }
0xb1: {  	_ =	task.clear_ibuf [dreg:s6], $0x5FFFF;
	_ =	strace $0x90000046  }
0xb2: {  	s29 =	simm.s32 $0xA;
	_ =	strace $0x80000048  }
0xb3: {  	_ =	swait.ge [sflag:s29], $0x1  }
0xb4: {  	[sflag:s29] =	ssyncadd.s32 $0xFFFFFFFF  }
0xb5: {  	_ =	strace $0x90000048  }
0xb6: {  	_ =	sfence  }
0xb7: {  	s30 =	sld [smem:$0x0];
	_ =	sdelay $0x2  }
0xb8: {  	s31 =	sshll.u32 s1, $0xD;
	s1 =	sshrl.u32 s1, $0x2  }
0xb9: {  	s3 =	sand.u32 $0x4000, s31;
	s1 =	sadd.s32 s1, s30  }
0xba: {  	s0 =	sor.u32 s3, s0;
	s1 =	sshll.u32 s1, $0x11  }
0xbb: {  	s0 =	sor.u32 s1, s0  }
0xbc: {  	s0 =	sadd.s32 $0x8F2B, s0  }
0xbd: {  	[sflag:s0] =	ssyncadd.remote.s32 $0x1  }
0xbe: {  	_ =	sfence.sel $0xFFFF  }
0xbf: {  	[dreg:$0x0] =	wrdreg $0xFFFFFFFF;
	(pc) =	sbr.abs _section_cstart, $3  }
0xc0: {  	[dreg:$0x1] =	wrdreg $0xFFFFFFFF  }
0xc1: {  	_ =	task.clear_ibuf [dreg:s6], $0x2FFFF;
	_ =	strace $0x9FFFFFFF  }
0xc2: {  	(tm) =	ssettm $0x7FFFFFFF  }
0xc3: {  	_ =	shalt  }
tec
execute0_lowered:
.L_overlay_start_1:
0x0: {  	(tag) =	ssettag $0x1  }
0x1: {  	s8 =	rddreg [dreg:$0x0]  }
0x2: {  	s0 =	srdreg.scid;
	s2 =	rddreg [dreg:$0x1]  }
0x3: {  	s1 =	rddreg [dreg:$0x2];
	s4 =	sand.u32 $0x1, s0  }
0x4: {  	s3 =	simm.s32 $0x0;
	s0 =	stileid.u32;
	s5 =	smul.u32 $0x31000, s4  }
0x5: {  	s15 =	simm.s32 $0x1;
	s16 =	simm.s32 $0x2;
	s6 =	smul.u32 $0x6400, s0  }
0x6: {  	s17 =	simm.s32 $0x3;
	s18 =	simm.s32 $0x0;
	s7 =	smul.u32 $0x18800, s0  }
0x7: {  	[smem:$0x7FF] =	sst s3;
	s9 =	smul.u32 $0x188000, s4;
	s4 =	ssub.s32 $0x2, s4  }
0x8: {  	_ =	strace $0x80000047;
	s31 =	sshll.u32 s0, $0x6;
	s30 =	sshrl.u32 s4, $0x1  }
0x9: {  	s10 =	sadd.s32 s5, s8;
	s11 =	sadd.s32 s6, s8;
	s28 =	sadd.s32 s7, s9  }
0xa: {  	s29 =	sshrl.u32 s7, $0x3;
	s13 =	ssub.s32 s4, s30;
	s14 =	sadd.s32 s7, s2  }
.Ltmp0:
0xb: {  	s5 =	sshrl.u32 s28, $0x3;
	s6 =	sadd.s32 s29, s8;
	(pc) =	sbr.rel .LBB2_1-.Ltmp0, $4  }
0xc: {  	s7 =	sadd.s32 $0x35800, s11;
	s9 =	sadd.s32 $0x99800, s10;
	s11 =	smax.u32 s13, $0x1  }
0xd: {  	s13 =	simm.s32 $0x4;
	s12 =	sadd.s32 s5, s8;
	s4 =	sadd.s32 $0xFB800, s6  }
0xe: {  	s5 =	sor.u32 $0x1C04, s31;
	s6 =	smul.u32 $0xC8, s0;
	s8 =	sadd.s32 $0x35880, s8  }
0xf: {  	s10 =	sadd.s32 $0x12C800, s12;
	s12 =	sshrl.u32 s14, $0x3;
	s14 =	simm.s32 $0x200  }
.LBB2_6:
0x10: {  	_ =	swait.ge [sflag:s16], $0x2000  }
0x11: {  	[sflag:s16] =	ssyncset.done $0x0  }
0x12: {  	[sflag:s16] =	ssyncadd.s32 $0xFFFFE000  }
0x13: {  	_ =	swait.ge [sflag:s16], $0x2000  }
0x14: {  	s18 =	sadd.s32 $0x1, s18;
	[sflag:s16] =	ssyncset.done $0x0  }
0x15: {  	p0 =	sne.s32 s18, s11;
	[sflag:s16] =	ssyncadd.s32 $0xFFFFE000  }
.Ltmp1:
0x16: {  	[bflag:$0x0] =	sbarrier.arrive $0xFFFF;
	(pc) =	sbr.rel @!p0 .LBB2_7-.Ltmp1, $4  }
0x17: {  	[hbm:s10], [sflag:s5] =	dma.local [spmem:s12], $0x3100  }
0x18: {  	_ =	swait.ge [sflag:s13], $0x3100  }
0x19: {  	[sflag:s13] =	ssyncset.done $0x0  }
0x1a: {  	[sflag:s13] =	ssyncadd.s32 $0xFFFFCF00  }
.LBB2_1:
0x1b: {  	[spmem:s12], [sflag:s5] =	dma.local [hbm:s4], $0x3100  }
0x1c: {  	_ =	swait.ge [sflag:s13], $0x3100  }
0x1d: {  	[sflag:s13] =	ssyncset.done $0x0  }
0x1e: {  	[sflag:s13] =	ssyncadd.s32 $0xFFFFCF00  }
.Ltmp2:
0x1f: {  	[bflag:$0x0] =	sbarrier.arrive $0xFFFF;
	(pc) =	sbr.rel .LBB2_2-.Ltmp2, $4  }
0x20: {  	[tilespmem:s3], [sflag:$0x4] =	stream.linear.gather [hbm4b:s7+s3], $0x400, $0x38;
	[tilespmem:$0x1D400] =	vst v63  }
0x21: {  	_ =	swait.ge [sflag:s13], $0x400  }
0x22: {  	[sflag:s13] =	ssyncset.done $0x0  }
0x23: {  	s20 =	simm.s32 $0x0;
	[sflag:s13] =	ssyncadd.s32 $0xFFFFFC00  }
.LBB2_4:
0x24: {  	_ =	swait.ge [sflag:s17], $0x400  }
0x25: {  	[sflag:s17] =	ssyncset.done $0x0  }
0x26: {  	s19 =	simm.s32 @!p0 $0xC8;
	[sflag:s17] =	ssyncadd.s32 $0xFFFFFC00  }
.LBB2_5:
0x27: {  	s21 =	smul.u32 $0xAB, s20;
	_ =	sdelay $0x1  }
0x28: {  	s21 =	sshrl.u32 s21, $0x9  }
0x29: {  	s21 =	sand.u32 $0x7F, s21  }
0x2a: {  	s21 =	smul.u32 $0x3, s21;
	_ =	sdelay $0x1  }
0x2b: {  	s31 =	sshll.u32 s20, $0xD;
	s21 =	ssub.s32 s20, s21  }
0x2c: {  	s20 =	sand.u32 $0x2000, s31;
	s21 =	sand.u32 $0xFF, s21  }
0x2d: {  	p0 =	slt.u32 s19, $0xC8;
	s20 =	sor.u32 $0xC00, s20;
	s21 =	sshll.u32 s21, $0xA  }
0x2e: {  	[tilespmem:s20], [sflag:$0x1] =	stream.indirect.gather [hbm4b:s9+s14], $0x10, s21, s14, $0xb8;
	[tilespmem:$0x1D400] =	vst v63  }
.Ltmp3:
0x2f: {  	_ =	swait.ge [sflag:s15], $0x2000;
	(pc) =	sbr.rel @!p0 .LBB2_6-.Ltmp3, $4  }
0x30: {  	[sflag:s15] =	ssyncset.done $0x0  }
0x31: {  	s21 =	sor.u32 $0x200, s21;
	[sflag:s15] =	ssyncadd.s32 $0xFFFFE000  }
0x32: {  	[spmem:s2] =	stream.indirect.scatter.add.f32 [tilespmem:s20], [sflag:$0x2], $0x10, s21, s14, $0xb8;
	[tilespmem:$0x1D400] =	vst v63  }
0x33: {  	s20 =	smov.u32 s19  }
.LBB2_2:
0x34: {  	p1 =	slt.u32 s20, $0x2  }
0x35: {  	p0 =	seq.s32 @!p1 s20, $0xC7  }
0x36: {  	p0 =	por p1, !p0  }
0x37: {  	s19 =	sadd.s32 @p0 $0x1, s20  }
0x38: {  	s22 =	simm.s32 @!p1 $0x2;
	s21 =	smul.u32 @p0 $0xAB, s19  }
0x39: {  	_ =	swait.ge @!p1 [sflag:s22], $0x2000  }
0x3a: {  	[sflag:s22] =	ssyncset.done @!p1 $0x0;
	s21 =	sshrl.u32 @p0 s21, $0x9  }
0x3b: {  	[sflag:s22] =	ssyncadd.s32 @!p1 $0xFFFFE000;
	p1 =	seq.s32 @p0 s20, $0x0;
	s21 =	sand.u32 @p0 $0x7F, s21  }
0x3c: {  	p1 =	por !p0, !p1;
	s21 =	smul.u32 @p0 $0x3, s21  }
.Ltmp4:
0x3d: {  	_ = 	snop;
	(pc) =	sbr.rel @p1 .LBB2_4-.Ltmp4, $4  }
0x3e: {  	s23 =	sadd.s32 @p0 s6, s20;
	s21 =	ssub.s32 @p0 s19, s21  }
0x3f: {  	s22 =	sshll.u32 @p0 s23, $0x7;
	s21 =	sand.u32 @p0 $0xFF, s21  }
0x40: {  	s23 =	simm.s32 @p0 $0x0;
	s22 =	sadd.s32 @p0 s22, s8;
	s21 =	sshll.u32 @p0 s21, $0xA  }
0x41: {  	[tilespmem:s21], [sflag:$0x3] =	stream.linear.gather @p0 [hbm4b:s22+s23], $0x400, $0x38;
	[tilespmem:$0x1D400] =	vst v63  }
.Ltmp5:
0x42: {  	(pc) =	sbr.rel .LBB2_5-.Ltmp5, $2  }
0x43: {  	_ =	sdelay $0x2  }
0x44: {  	s19 =	simm.s32 @p0 $0x1  }
.LBB2_7:
0x45: {  	_ =	sfence.sel $0x180000  }
0x46: {  	[bflag:$0x0] =	sbarrier.arrive $0xFFFF  }
0x47: {  	p0 =	sne.s32 s0, $0x0;
	_ =	strace $0x90000047  }
0x48: {  	s0 =	sadd.s32 @!p0 $0x100000, s1;
	[bflag:$0x2] =	sbarrier.arrive $0xFFFF  }
0x49: {  	[sflag:s0] =	ssyncadd.tile.s32 @!p0 $0x1;
	_ =	shalt  }
.Lfunc_end2:
_tile_overlayer_lowered:
.L_overlay_start_2:
0x4a: {  	(tag) =	ssettag $0x2  }
0x4b: {  	s0 =	rddreg [dreg:$0x0];
	s2 =	stileid.u32  }
0x4c: {  	s1 =	rddreg [dreg:$0x1];
	p0 =	sne.s32 s2, $0x0  }
0x4d: {  	s3 =	rddreg [dreg:$0x2];
	[bflag:$0x3] =	sbarrier.arrive $0xFFFF;
	s2 =	simm.s32 @!p0 $0x1C04  }
0x4e: {  	[timem:s3], [sflag:s2] =	dma.local @!p0 [hbm:s0], s1  }
0x4f: {  	s0 =	simm.s32 @!p0 $0x4  }
0x50: {  	_ =	swait.ge @!p0 [sflag:s0], s1  }
0x51: {  	s1 =	ssub.s32 @!p0 $0x0, s1;
	[sflag:s0] =	ssyncset.done @!p0 $0x0  }
0x52: {  	[sflag:s0] =	ssyncadd.s32 @!p0 s1  }
0x53: {  	[bflag:$0x3] =	sbarrier.arrive $0xFFFF  }
0x54: {  	_ =	shalt  }

// kernel: kernel.16.cloned.1.call-start
scs
__scs_entry_jumppad:
0x0: {  	(pc) =	sbr.rel $0x88, $3  }
0x1: {  	(tag) =	ssettag $0x0;
	lr =	simm.s32 $0x1  }
0x2: {  	[smem:$0x3F90] =	sst lr;
	_ =	strace $0xD0000000  }
0x3: {  	_ = 	snop  }
0x4: {  	_ = 	snop  }
0x5: {  	_ = 	snop  }
0x6: {  	_ = 	snop  }
0x7: {  	_ = 	snop  }
__scs_overlays_trampoline_lowered:
0x8: {  	[smem:$0x3F9F] =	sst s0  }
0x9: {  	[smem:$0x3FA0] =	sst s1  }
0xa: {  	[smem:$0x3FA1] =	sst s2  }
0xb: {  	[smem:$0x3FA2] =	sst s3  }
0xc: {  	[smem:$0x3FA3] =	sst s4  }
0xd: {  	[smem:$0x3FA4] =	sst s5  }
0xe: {  	[smem:$0x3FA5] =	sst s6  }
0xf: {  	[smem:$0x3FA6] =	sst s7  }
0x10: {  	[smem:$0x3FA7] =	sst s8  }
0x11: {  	[smem:$0x3FA8] =	sst s9;
	s0 =	simm.s32 @!p0 $0x0  }
0x12: {  	s1 =	sld [smem:$0x3F8E];
	s0 =	simm.s32 @p0 $0x1  }
0x13: {  	[smem:$0x3FA9] =	sst s0;
	s0 =	simm.s32 @!p1 $0x0  }
0x14: {  	s2 =	sld [smem:$0x3F8D];
	s0 =	simm.s32 @p1 $0x1  }
0x15: {  	[smem:$0x3FAA] =	sst s0;
	s0 =	simm.s32 @!p2 $0x0  }
0x16: {  	s3 =	sld [smem:$0x3FDB];
	s0 =	simm.s32 @p2 $0x1  }
0x17: {  	s4 =	simm.s32 $0x1BF5;
	[smem:$0x3FAC] =	sst s0  }
0x18: {  	s0 =	sld [smem:$0x3F8F];
	_ =	swait.ge [sflag:s4], $0x0  }
0x19: {  	s7 =	sld [smem:$0x3F90]  }
0x1a: {  	s8 =	sadd.s32 $0xFFFFE003, lr  }
0x1b: {  	s9 =	sadd.s32 $0xFFFFFEF7, lr;
	s5 =	simm.s32 $0xFFFFFFFF;
	p2 =	slt.u32 s8, $0xFFFFF086  }
0x1c: {  	p1 =	slt.u32 s9, $0xF7A;
	s5 =	simm.s32 @!p2 $0x0  }
0x1d: {  	s5 =	simm.s32 @p1 $0x1;
	p0 =	seq.s32 s7, s2  }
0x1e: {  	s7 =	smul.u32 @!p0 $0xF7A, s2;
	p2 =	seq.s32 @!p0 s5, $0x0  }
0x1f: {  	s9 =	smul.u32 $0xF7A, s1;
	s8 =	simm.s32 @!p0 $0x1BF5;
	p2 =	por !p2, p0  }
0x20: {  	[sflag:s8] =	ssyncset.s32 @!p0 $0xFFFFF086;
	s6 =	sadd.s32 @!p0 s3, s7;
	s7 =	simm.s32 @!p0 $0x108  }
0x21: {  	s3 =	sadd.s32 s3, s9;
	s6 =	sadd.s32 @!p0 $0x88, s6;
	s7 =	simm.s32 @p2 $0x1082  }
0x22: {  	[simem:s7], [sflag:s8] =	dma.local @!p0 [hbm:s6], $0xF7A  }
0x23: {  	s9 =	sor.u32 $0xD0000000, s2;
	s6 =	simm.s32 $0x108;
	_ =	swait.ge @!p0 [sflag:s8], $0x0  }
0x24: {  	s3 =	sadd.s32 $0x88, s3;
	s6 =	simm.s32 @!p1 $0x1082;
	[sflag:s4] =	ssyncset.s32 $0xFFFFF086  }
0x25: {  	[simem:s6], [sflag:s4] =	dma.local [hbm:s3], $0xF7A  }
0x26: {  	[smem:$0x3F90] =	sst s1;
	(tag) =	ssettag s2;
	_ =	strace s9  }
0x27: {  	s1 =	sld [smem:$0x3FA0]  }
0x28: {  	s2 =	sld [smem:$0x3FA1]  }
0x29: {  	s4 =	sld [smem:$0x3FA3]  }
0x2a: {  	p0 =	seq.s32 s5, $0x0;
	s5 =	sld [smem:$0x3FA4]  }
0x2b: {  	s6 =	sld [smem:$0x3FA5]  }
0x2c: {  	s7 =	sld [smem:$0x3FA6]  }
0x2d: {  	s3 =	simm.s32 $0x108;
	s8 =	sld [smem:$0x3FA7]  }
0x2e: {  	s3 =	simm.s32 @!p0 $0x1082;
	s9 =	sld [smem:$0x3FA8]  }
0x2f: {  	lr =	sadd.s32 s0, s3;
	s0 =	sld [smem:$0x3F9F]  }
0x30: {  	s3 =	sld [smem:$0x3FA2]  }
0x31: {  	[smem:$0x3FAB] =	sst s10  }
0x32: {  	s10 =	sld [smem:$0x3FA9];
	_ =	sdelay $0x3  }
0x33: {  	p0 =	seq.s32 s10, $0x1;
	s10 =	sld [smem:$0x3FAB];
	_ =	sdelay $0x3  }
0x34: {  	[smem:$0x3FAB] =	sst s10  }
0x35: {  	s10 =	sld [smem:$0x3FAA];
	_ =	sdelay $0x3  }
0x36: {  	p1 =	seq.s32 s10, $0x1;
	s10 =	sld [smem:$0x3FAB];
	_ =	sdelay $0x3  }
0x37: {  	[smem:$0x3FAB] =	sst s10  }
0x38: {  	s10 =	sld [smem:$0x3FAC]  }
0x39: {  	_ = 	snop;
	(pc) =	sbr.ind lr, $3  }
0x3a: {  	_ = 	snop  }
0x3b: {  	_ = 	snop  }
0x3c: {  	p2 =	seq.s32 s10, $0x1;
	s10 =	sld [smem:$0x3FAB]  }
0x3d: {  	_ =	shalt  }
0x3e: {  	_ =	shalt  }
0x3f: {  	_ =	shalt  }
0x40: {  	_ =	shalt  }
0x41: {  	_ =	shalt  }
0x42: {  	_ =	shalt  }
0x43: {  	_ =	shalt  }
0x44: {  	_ =	shalt  }
0x45: {  	_ =	shalt  }
0x46: {  	_ =	shalt  }
0x47: {  	_ =	shalt  }
0x48: {  	_ =	shalt  }
0x49: {  	_ =	shalt  }
0x4a: {  	_ =	shalt  }
0x4b: {  	_ =	shalt  }
0x4c: {  	_ =	shalt  }
0x4d: {  	_ =	shalt  }
0x4e: {  	_ =	shalt  }
0x4f: {  	_ =	shalt  }
0x50: {  	_ =	shalt  }
0x51: {  	_ =	shalt  }
0x52: {  	_ =	shalt  }
0x53: {  	_ =	shalt  }
0x54: {  	_ =	shalt  }
0x55: {  	_ =	shalt  }
0x56: {  	_ =	shalt  }
0x57: {  	_ =	shalt  }
0x58: {  	_ =	shalt  }
0x59: {  	_ =	shalt  }
0x5a: {  	_ =	shalt  }
0x5b: {  	_ =	shalt  }
0x5c: {  	_ =	shalt  }
0x5d: {  	_ =	shalt  }
0x5e: {  	_ =	shalt  }
0x5f: {  	_ =	shalt  }
0x60: {  	_ =	shalt  }
0x61: {  	_ =	shalt  }
0x62: {  	_ =	shalt  }
0x63: {  	_ =	shalt  }
0x64: {  	_ =	shalt  }
0x65: {  	_ =	shalt  }
0x66: {  	_ =	shalt  }
0x67: {  	_ =	shalt  }
0x68: {  	_ =	shalt  }
0x69: {  	_ =	shalt  }
0x6a: {  	_ =	shalt  }
0x6b: {  	_ =	shalt  }
0x6c: {  	_ =	shalt  }
0x6d: {  	_ =	shalt  }
0x6e: {  	_ =	shalt  }
0x6f: {  	_ =	shalt  }
0x70: {  	_ =	shalt  }
0x71: {  	_ =	shalt  }
0x72: {  	_ =	shalt  }
0x73: {  	_ =	shalt  }
0x74: {  	_ =	shalt  }
0x75: {  	_ =	shalt  }
0x76: {  	_ =	shalt  }
0x77: {  	_ =	shalt  }
0x78: {  	_ =	shalt  }
0x79: {  	_ =	shalt  }
0x7a: {  	_ =	shalt  }
0x7b: {  	_ =	shalt  }
0x7c: {  	_ =	shalt  }
0x7d: {  	_ =	shalt  }
0x7e: {  	_ =	shalt  }
0x7f: {  	_ =	shalt  }
0x80: {  	_ =	shalt  }
0x81: {  	_ =	shalt  }
0x82: {  	_ =	shalt  }
0x83: {  	_ =	shalt  }
0x84: {  	_ =	shalt  }
0x85: {  	_ =	shalt  }
0x86: {  	_ =	shalt  }
0x87: {  	_ =	shalt  }
.Lfunc_end0:
.L_simem_size_0:
called_computation.2_lowered:
.L_overlay_start_0:
0x88: {  	s2 =	sld [smem:$0x3FD9]  }
0x89: {  	s3 =	sld [smem:$0x3FFE];
	_ =	sdelay $0x1  }
0x8a: {  	s1 =	srdreg.scid  }
0x8b: {  	s0 =	sand.u32 $0x1, s1  }
0x8c: {  	s16 =	sshll.u32 s0, $0xA;
	s2 =	sadd.s32 s3, s2  }
0x8d: {  	s2 =	sadd.s32 s2, s16  }
0x8e: {  	[smem:$0x3FB7] =	sst s2  }
0x8f: {  	_ = 	snop  }
0x90: {  	(tm) =	ssettm $0x1  }
0x91: {  	s17 =	sld [smem:$0x3FFB];
	_ =	sdelay $0x3  }
0x92: {  	_ =	strace s17  }
0x93: {  	s2 =	sld [smem:$0x3FFC];
	_ =	sdelay $0x3  }
0x94: {  	_ =	strace s2  }
0x95: {  	s2 =	sld [smem:$0x3FFD];
	_ =	sdelay $0x3  }
0x96: {  	_ =	strace s2  }
0x97: {  	_ =	strace $0x8FFFFFFF  }
0x98: {  	s18 =	sld [smem:$0x3FDB];
	_ =	sdelay $0x1  }
0x99: {  	s19 =	simm.s32 $_scs_section_size  }
0x9a: {  	s4 =	simm.s32 $_size__tile_overlayer_lowered;
	s5 =	simm.s32 $_tile_overlayer_lowered  }
0x9b: {  	s22 =	simm.s32 $0x1BFF;
	s21 =	sshll.u32 s5, $0x1;
	s2 =	sadd.s32 s19, s18  }
0x9c: {  	s6 =	simm.s32 $0x0;
	s20 =	sshll.u32 s4, $0x1;
	s4 =	sadd.s32 s21, s2  }
0x9d: {  	[timem:s6], [sflag:s22] =	dma.local [hbm:s4], s20  }
0x9e: {  	_ =	swait.ge [sflag:s22], s20  }
0x9f: {  	s3 =	ssub.s32 $0x0, s20;
	[sflag:s22] =	ssyncset.done $0x0  }
0xa0: {  	[sflag:s22] =	ssyncadd.s32 s3;
	_ =	sdelay $0x1  }
0xa1: {  	s23 =	simm.s32 $0x1B8B  }
0xa2: {  	_ =	swait.ge [sflag:s23], $0x1  }
0xa3: {  	[sflag:s23] =	ssyncset.done $0x0  }
0xa4: {  	s25 =	simm.s32 $0x1B8E;
	s24 =	sld [smem:$0x3FFE];
	[sflag:s23] =	ssyncadd.s32 $0xFFFFFFFF  }
0xa5: {  	s26 =	simm.s32 $execute0_lowered;
	[smem:$0x3FD2] =	sst s25  }
0xa6: {  	s4 =	sshll.u32 s26, $0x1;
	_ =	strace $0x8000004C;
	[dreg:$0x1] =	wrdreg $0xFFFFFFFF  }
0xa7: {  	s28 =	simm.s32 $_size_execute0_lowered;
	s2 =	sadd.s32 s2, s4;
	[dreg:$0x0] =	wrdreg $0x0  }
0xa8: {  	s4 =	sshll.u32 s28, $0x1;
	[dreg:$0x2] =	wrdreg s2  }
0xa9: {  	[dreg:$0x3] =	wrdreg s4  }
0xaa: {  	[dreg:$0x4] =	wrdreg $0xC0  }
0xab: {  	_ =	task [dreg:s6], $0x5FFFF  }
0xac: {  	[dreg:$0x1] =	wrdreg $0xFFFFFFFF  }
0xad: {  	[dreg:$0x0] =	wrdreg $0x60  }
0xae: {  	[dreg:$0x2] =	wrdreg s24  }
0xaf: {  	[dreg:$0x3] =	wrdreg $0x4C000  }
0xb0: {  	[dreg:$0x4] =	wrdreg $0x9  }
0xb1: {  	_ =	task.clear_ibuf [dreg:s6], $0x5FFFF;
	_ =	strace $0x9000004C  }
0xb2: {  	s29 =	simm.s32 $0x9;
	_ =	strace $0x8000004E  }
0xb3: {  	_ =	swait.ge [sflag:s29], $0x1  }
0xb4: {  	[sflag:s29] =	ssyncadd.s32 $0xFFFFFFFF  }
0xb5: {  	_ =	strace $0x9000004E  }
0xb6: {  	_ =	sfence  }
0xb7: {  	s30 =	sld [smem:$0x0];
	_ =	sdelay $0x2  }
0xb8: {  	s31 =	sshll.u32 s1, $0xD;
	s1 =	sshrl.u32 s1, $0x2  }
0xb9: {  	s3 =	sand.u32 $0x4000, s31;
	s1 =	sadd.s32 s1, s30  }
0xba: {  	s0 =	sor.u32 s3, s0;
	s1 =	sshll.u32 s1, $0x11  }
0xbb: {  	s0 =	sor.u32 s1, s0  }
0xbc: {  	s0 =	sadd.s32 $0x8F2B, s0  }
0xbd: {  	[sflag:s0] =	ssyncadd.remote.s32 $0x1  }
0xbe: {  	_ =	sfence.sel $0xFFFF  }
0xbf: {  	[dreg:$0x0] =	wrdreg $0xFFFFFFFF;
	(pc) =	sbr.abs _section_cstart, $3  }
0xc0: {  	[dreg:$0x1] =	wrdreg $0xFFFFFFFF  }
0xc1: {  	_ =	task.clear_ibuf [dreg:s6], $0x2FFFF;
	_ =	strace $0x9FFFFFFF  }
0xc2: {  	(tm) =	ssettm $0x7FFFFFFF  }
0xc3: {  	_ =	shalt  }
tec
execute0_lowered:
.L_overlay_start_1:
0x0: {  	(tag) =	ssettag $0x1  }
0x1: {  	s8 =	rddreg [dreg:$0x0]  }
0x2: {  	s0 =	srdreg.scid;
	s2 =	rddreg [dreg:$0x1]  }
0x3: {  	s1 =	rddreg [dreg:$0x2];
	s4 =	sand.u32 $0x1, s0  }
0x4: {  	s3 =	simm.s32 $0x0;
	s0 =	stileid.u32;
	s5 =	smul.u32 $0x31000, s4  }
0x5: {  	s15 =	simm.s32 $0x1;
	s16 =	simm.s32 $0x2;
	s6 =	smul.u32 $0x6400, s0  }
0x6: {  	s17 =	simm.s32 $0x3;
	s18 =	simm.s32 $0x0;
	s7 =	smul.u32 $0x18800, s0  }
0x7: {  	[smem:$0x7FF] =	sst s3;
	s9 =	smul.u32 $0x188000, s4;
	s4 =	ssub.s32 $0x2, s4  }
0x8: {  	_ =	strace $0x8000004D;
	s31 =	sshll.u32 s0, $0x6;
	s30 =	sshrl.u32 s4, $0x1  }
0x9: {  	s10 =	sadd.s32 s5, s8;
	s11 =	sadd.s32 s6, s8;
	s28 =	sadd.s32 s7, s9  }
0xa: {  	s29 =	sshrl.u32 s7, $0x3;
	s13 =	ssub.s32 s4, s30;
	s14 =	sadd.s32 s7, s2  }
.Ltmp0:
0xb: {  	s5 =	sshrl.u32 s28, $0x3;
	s6 =	sadd.s32 s29, s8;
	(pc) =	sbr.rel .LBB2_1-.Ltmp0, $4  }
0xc: {  	s7 =	sadd.s32 $0x35800, s11;
	s9 =	sadd.s32 $0x99800, s10;
	s11 =	smax.u32 s13, $0x1  }
0xd: {  	s13 =	simm.s32 $0x4;
	s12 =	sadd.s32 s5, s8;
	s4 =	sadd.s32 $0xFB800, s6  }
0xe: {  	s5 =	sor.u32 $0x1C04, s31;
	s6 =	smul.u32 $0xC8, s0;
	s8 =	sadd.s32 $0x35880, s8  }
0xf: {  	s10 =	sadd.s32 $0x12C800, s12;
	s12 =	sshrl.u32 s14, $0x3;
	s14 =	simm.s32 $0x200  }
.LBB2_6:
0x10: {  	_ =	swait.ge [sflag:s16], $0x2000  }
0x11: {  	[sflag:s16] =	ssyncset.done $0x0  }
0x12: {  	[sflag:s16] =	ssyncadd.s32 $0xFFFFE000  }
0x13: {  	_ =	swait.ge [sflag:s16], $0x2000  }
0x14: {  	s18 =	sadd.s32 $0x1, s18;
	[sflag:s16] =	ssyncset.done $0x0  }
0x15: {  	p0 =	sne.s32 s18, s11;
	[sflag:s16] =	ssyncadd.s32 $0xFFFFE000  }
.Ltmp1:
0x16: {  	[bflag:$0x0] =	sbarrier.arrive $0xFFFF;
	(pc) =	sbr.rel @!p0 .LBB2_7-.Ltmp1, $4  }
0x17: {  	[hbm:s10], [sflag:s5] =	dma.local [spmem:s12], $0x3100  }
0x18: {  	_ =	swait.ge [sflag:s13], $0x3100  }
0x19: {  	[sflag:s13] =	ssyncset.done $0x0  }
0x1a: {  	[sflag:s13] =	ssyncadd.s32 $0xFFFFCF00  }
.LBB2_1:
0x1b: {  	[spmem:s12], [sflag:s5] =	dma.local [hbm:s4], $0x3100  }
0x1c: {  	_ =	swait.ge [sflag:s13], $0x3100  }
0x1d: {  	[sflag:s13] =	ssyncset.done $0x0  }
0x1e: {  	[sflag:s13] =	ssyncadd.s32 $0xFFFFCF00  }
.Ltmp2:
0x1f: {  	[bflag:$0x0] =	sbarrier.arrive $0xFFFF;
	(pc) =	sbr.rel .LBB2_2-.Ltmp2, $4  }
0x20: {  	[tilespmem:s3], [sflag:$0x4] =	stream.linear.gather [hbm4b:s7+s3], $0x400, $0x38;
	[tilespmem:$0x1D400] =	vst v63  }
0x21: {  	_ =	swait.ge [sflag:s13], $0x400  }
0x22: {  	[sflag:s13] =	ssyncset.done $0x0  }
0x23: {  	s20 =	simm.s32 $0x0;
	[sflag:s13] =	ssyncadd.s32 $0xFFFFFC00  }
.LBB2_4:
0x24: {  	_ =	swait.ge [sflag:s17], $0x400  }
0x25: {  	[sflag:s17] =	ssyncset.done $0x0  }
0x26: {  	s19 =	simm.s32 @!p0 $0xC8;
	[sflag:s17] =	ssyncadd.s32 $0xFFFFFC00  }
.LBB2_5:
0x27: {  	s21 =	smul.u32 $0xAB, s20;
	_ =	sdelay $0x1  }
0x28: {  	s21 =	sshrl.u32 s21, $0x9  }
0x29: {  	s21 =	sand.u32 $0x7F, s21  }
0x2a: {  	s21 =	smul.u32 $0x3, s21;
	_ =	sdelay $0x1  }
0x2b: {  	s31 =	sshll.u32 s20, $0xD;
	s21 =	ssub.s32 s20, s21  }
0x2c: {  	s20 =	sand.u32 $0x2000, s31;
	s21 =	sand.u32 $0xFF, s21  }
0x2d: {  	p0 =	slt.u32 s19, $0xC8;
	s20 =	sor.u32 $0xC00, s20;
	s21 =	sshll.u32 s21, $0xA  }
0x2e: {  	[tilespmem:s20], [sflag:$0x1] =	stream.indirect.gather [hbm4b:s9+s14], $0x10, s21, s14, $0xb8;
	[tilespmem:$0x1D400] =	vst v63  }
.Ltmp3:
0x2f: {  	_ =	swait.ge [sflag:s15], $0x2000;
	(pc) =	sbr.rel @!p0 .LBB2_6-.Ltmp3, $4  }
0x30: {  	[sflag:s15] =	ssyncset.done $0x0  }
0x31: {  	s21 =	sor.u32 $0x200, s21;
	[sflag:s15] =	ssyncadd.s32 $0xFFFFE000  }
0x32: {  	[spmem:s2] =	stream.indirect.scatter.add.f32 [tilespmem:s20], [sflag:$0x2], $0x10, s21, s14, $0xb8;
	[tilespmem:$0x1D400] =	vst v63  }
0x33: {  	s20 =	smov.u32 s19  }
.LBB2_2:
0x34: {  	p1 =	slt.u32 s20, $0x2  }
0x35: {  	p0 =	seq.s32 @!p1 s20, $0xC7  }
0x36: {  	p0 =	por p1, !p0  }
0x37: {  	s19 =	sadd.s32 @p0 $0x1, s20  }
0x38: {  	s22 =	simm.s32 @!p1 $0x2;
	s21 =	smul.u32 @p0 $0xAB, s19  }
0x39: {  	_ =	swait.ge @!p1 [sflag:s22], $0x2000  }
0x3a: {  	[sflag:s22] =	ssyncset.done @!p1 $0x0;
	s21 =	sshrl.u32 @p0 s21, $0x9  }
0x3b: {  	[sflag:s22] =	ssyncadd.s32 @!p1 $0xFFFFE000;
	p1 =	seq.s32 @p0 s20, $0x0;
	s21 =	sand.u32 @p0 $0x7F, s21  }
0x3c: {  	p1 =	por !p0, !p1;
	s21 =	smul.u32 @p0 $0x3, s21  }
.Ltmp4:
0x3d: {  	_ = 	snop;
	(pc) =	sbr.rel @p1 .LBB2_4-.Ltmp4, $4  }
0x3e: {  	s23 =	sadd.s32 @p0 s6, s20;
	s21 =	ssub.s32 @p0 s19, s21  }
0x3f: {  	s22 =	sshll.u32 @p0 s23, $0x7;
	s21 =	sand.u32 @p0 $0xFF, s21  }
0x40: {  	s23 =	simm.s32 @p0 $0x0;
	s22 =	sadd.s32 @p0 s22, s8;
	s21 =	sshll.u32 @p0 s21, $0xA  }
0x41: {  	[tilespmem:s21], [sflag:$0x3] =	stream.linear.gather @p0 [hbm4b:s22+s23], $0x400, $0x38;
	[tilespmem:$0x1D400] =	vst v63  }
.Ltmp5:
0x42: {  	(pc) =	sbr.rel .LBB2_5-.Ltmp5, $2  }
0x43: {  	_ =	sdelay $0x2  }
0x44: {  	s19 =	simm.s32 @p0 $0x1  }
.LBB2_7:
0x45: {  	_ =	sfence.sel $0x180000  }
0x46: {  	[bflag:$0x0] =	sbarrier.arrive $0xFFFF  }
0x47: {  	p0 =	sne.s32 s0, $0x0;
	_ =	strace $0x9000004D  }
0x48: {  	s0 =	sadd.s32 @!p0 $0x100000, s1;
	[bflag:$0x2] =	sbarrier.arrive $0xFFFF  }
0x49: {  	[sflag:s0] =	ssyncadd.tile.s32 @!p0 $0x1;
	_ =	shalt  }
.Lfunc_end2:
_tile_overlayer_lowered:
.L_overlay_start_2:
0x4a: {  	(tag) =	ssettag $0x2  }
0x4b: {  	s0 =	rddreg [dreg:$0x0];
	s2 =	stileid.u32  }
0x4c: {  	s1 =	rddreg [dreg:$0x1];
	p0 =	sne.s32 s2, $0x0  }
0x4d: {  	s3 =	rddreg [dreg:$0x2];
	[bflag:$0x3] =	sbarrier.arrive $0xFFFF;
	s2 =	simm.s32 @!p0 $0x1C04  }
0x4e: {  	[timem:s3], [sflag:s2] =	dma.local @!p0 [hbm:s0], s1  }
0x4f: {  	s0 =	simm.s32 @!p0 $0x4  }
0x50: {  	_ =	swait.ge @!p0 [sflag:s0], s1  }
0x51: {  	s1 =	ssub.s32 @!p0 $0x0, s1;
	[sflag:s0] =	ssyncset.done @!p0 $0x0  }
0x52: {  	[sflag:s0] =	ssyncadd.s32 @!p0 s1  }
0x53: {  	[bflag:$0x3] =	sbarrier.arrive $0xFFFF  }
0x54: {  	_ =	shalt  }

// kernel: kernel.19.cloned.1.call-start
scs
__scs_entry_jumppad:
0x0: {  	(pc) =	sbr.rel $0x88, $3  }
0x1: {  	(tag) =	ssettag $0x0;
	lr =	simm.s32 $0x1  }
0x2: {  	[smem:$0x3F90] =	sst lr;
	_ =	strace $0xD0000000  }
0x3: {  	_ = 	snop  }
0x4: {  	_ = 	snop  }
0x5: {  	_ = 	snop  }
0x6: {  	_ = 	snop  }
0x7: {  	_ = 	snop  }
__scs_overlays_trampoline_lowered:
0x8: {  	[smem:$0x3F9F] =	sst s0  }
0x9: {  	[smem:$0x3FA0] =	sst s1  }
0xa: {  	[smem:$0x3FA1] =	sst s2  }
0xb: {  	[smem:$0x3FA2] =	sst s3  }
0xc: {  	[smem:$0x3FA3] =	sst s4  }
0xd: {  	[smem:$0x3FA4] =	sst s5  }
0xe: {  	[smem:$0x3FA5] =	sst s6  }
0xf: {  	[smem:$0x3FA6] =	sst s7  }
0x10: {  	[smem:$0x3FA7] =	sst s8  }
0x11: {  	[smem:$0x3FA8] =	sst s9;
	s0 =	simm.s32 @!p0 $0x0  }
0x12: {  	s1 =	sld [smem:$0x3F8E];
	s0 =	simm.s32 @p0 $0x1  }
0x13: {  	[smem:$0x3FA9] =	sst s0;
	s0 =	simm.s32 @!p1 $0x0  }
0x14: {  	s2 =	sld [smem:$0x3F8D];
	s0 =	simm.s32 @p1 $0x1  }
0x15: {  	[smem:$0x3FAA] =	sst s0;
	s0 =	simm.s32 @!p2 $0x0  }
0x16: {  	s3 =	sld [smem:$0x3FDB];
	s0 =	simm.s32 @p2 $0x1  }
0x17: {  	s4 =	simm.s32 $0x1BF5;
	[smem:$0x3FAC] =	sst s0  }
0x18: {  	s0 =	sld [smem:$0x3F8F];
	_ =	swait.ge [sflag:s4], $0x0  }
0x19: {  	s7 =	sld [smem:$0x3F90]  }
0x1a: {  	s8 =	sadd.s32 $0xFFFFE003, lr  }
0x1b: {  	s9 =	sadd.s32 $0xFFFFFEF7, lr;
	s5 =	simm.s32 $0xFFFFFFFF;
	p2 =	slt.u32 s8, $0xFFFFF086  }
0x1c: {  	p1 =	slt.u32 s9, $0xF7A;
	s5 =	simm.s32 @!p2 $0x0  }
0x1d: {  	s5 =	simm.s32 @p1 $0x1;
	p0 =	seq.s32 s7, s2  }
0x1e: {  	s7 =	smul.u32 @!p0 $0xF7A, s2;
	p2 =	seq.s32 @!p0 s5, $0x0  }
0x1f: {  	s9 =	smul.u32 $0xF7A, s1;
	s8 =	simm.s32 @!p0 $0x1BF5;
	p2 =	por !p2, p0  }
0x20: {  	[sflag:s8] =	ssyncset.s32 @!p0 $0xFFFFF086;
	s6 =	sadd.s32 @!p0 s3, s7;
	s7 =	simm.s32 @!p0 $0x108  }
0x21: {  	s3 =	sadd.s32 s3, s9;
	s6 =	sadd.s32 @!p0 $0x88, s6;
	s7 =	simm.s32 @p2 $0x1082  }
0x22: {  	[simem:s7], [sflag:s8] =	dma.local @!p0 [hbm:s6], $0xF7A  }
0x23: {  	s9 =	sor.u32 $0xD0000000, s2;
	s6 =	simm.s32 $0x108;
	_ =	swait.ge @!p0 [sflag:s8], $0x0  }
0x24: {  	s3 =	sadd.s32 $0x88, s3;
	s6 =	simm.s32 @!p1 $0x1082;
	[sflag:s4] =	ssyncset.s32 $0xFFFFF086  }
0x25: {  	[simem:s6], [sflag:s4] =	dma.local [hbm:s3], $0xF7A  }
0x26: {  	[smem:$0x3F90] =	sst s1;
	(tag) =	ssettag s2;
	_ =	strace s9  }
0x27: {  	s1 =	sld [smem:$0x3FA0]  }
0x28: {  	s2 =	sld [smem:$0x3FA1]  }
0x29: {  	s4 =	sld [smem:$0x3FA3]  }
0x2a: {  	p0 =	seq.s32 s5, $0x0;
	s5 =	sld [smem:$0x3FA4]  }
0x2b: {  	s6 =	sld [smem:$0x3FA5]  }
0x2c: {  	s7 =	sld [smem:$0x3FA6]  }
0x2d: {  	s3 =	simm.s32 $0x108;
	s8 =	sld [smem:$0x3FA7]  }
0x2e: {  	s3 =	simm.s32 @!p0 $0x1082;
	s9 =	sld [smem:$0x3FA8]  }
0x2f: {  	lr =	sadd.s32 s0, s3;
	s0 =	sld [smem:$0x3F9F]  }
0x30: {  	s3 =	sld [smem:$0x3FA2]  }
0x31: {  	[smem:$0x3FAB] =	sst s10  }
0x32: {  	s10 =	sld [smem:$0x3FA9];
	_ =	sdelay $0x3  }
0x33: {  	p0 =	seq.s32 s10, $0x1;
	s10 =	sld [smem:$0x3FAB];
	_ =	sdelay $0x3  }
0x34: {  	[smem:$0x3FAB] =	sst s10  }
0x35: {  	s10 =	sld [smem:$0x3FAA];
	_ =	sdelay $0x3  }
0x36: {  	p1 =	seq.s32 s10, $0x1;
	s10 =	sld [smem:$0x3FAB];
	_ =	sdelay $0x3  }
0x37: {  	[smem:$0x3FAB] =	sst s10  }
0x38: {  	s10 =	sld [smem:$0x3FAC]  }
0x39: {  	_ = 	snop;
	(pc) =	sbr.ind lr, $3  }
0x3a: {  	_ = 	snop  }
0x3b: {  	_ = 	snop  }
0x3c: {  	p2 =	seq.s32 s10, $0x1;
	s10 =	sld [smem:$0x3FAB]  }
0x3d: {  	_ =	shalt  }
0x3e: {  	_ =	shalt  }
0x3f: {  	_ =	shalt  }
0x40: {  	_ =	shalt  }
0x41: {  	_ =	shalt  }
0x42: {  	_ =	shalt  }
0x43: {  	_ =	shalt  }
0x44: {  	_ =	shalt  }
0x45: {  	_ =	shalt  }
0x46: {  	_ =	shalt  }
0x47: {  	_ =	shalt  }
0x48: {  	_ =	shalt  }
0x49: {  	_ =	shalt  }
0x4a: {  	_ =	shalt  }
0x4b: {  	_ =	shalt  }
0x4c: {  	_ =	shalt  }
0x4d: {  	_ =	shalt  }
0x4e: {  	_ =	shalt  }
0x4f: {  	_ =	shalt  }
0x50: {  	_ =	shalt  }
0x51: {  	_ =	shalt  }
0x52: {  	_ =	shalt  }
0x53: {  	_ =	shalt  }
0x54: {  	_ =	shalt  }
0x55: {  	_ =	shalt  }
0x56: {  	_ =	shalt  }
0x57: {  	_ =	shalt  }
0x58: {  	_ =	shalt  }
0x59: {  	_ =	shalt  }
0x5a: {  	_ =	shalt  }
0x5b: {  	_ =	shalt  }
0x5c: {  	_ =	shalt  }
0x5d: {  	_ =	shalt  }
0x5e: {  	_ =	shalt  }
0x5f: {  	_ =	shalt  }
0x60: {  	_ =	shalt  }
0x61: {  	_ =	shalt  }
0x62: {  	_ =	shalt  }
0x63: {  	_ =	shalt  }
0x64: {  	_ =	shalt  }
0x65: {  	_ =	shalt  }
0x66: {  	_ =	shalt  }
0x67: {  	_ =	shalt  }
0x68: {  	_ =	shalt  }
0x69: {  	_ =	shalt  }
0x6a: {  	_ =	shalt  }
0x6b: {  	_ =	shalt  }
0x6c: {  	_ =	shalt  }
0x6d: {  	_ =	shalt  }
0x6e: {  	_ =	shalt  }
0x6f: {  	_ =	shalt  }
0x70: {  	_ =	shalt  }
0x71: {  	_ =	shalt  }
0x72: {  	_ =	shalt  }
0x73: {  	_ =	shalt  }
0x74: {  	_ =	shalt  }
0x75: {  	_ =	shalt  }
0x76: {  	_ =	shalt  }
0x77: {  	_ =	shalt  }
0x78: {  	_ =	shalt  }
0x79: {  	_ =	shalt  }
0x7a: {  	_ =	shalt  }
0x7b: {  	_ =	shalt  }
0x7c: {  	_ =	shalt  }
0x7d: {  	_ =	shalt  }
0x7e: {  	_ =	shalt  }
0x7f: {  	_ =	shalt  }
0x80: {  	_ =	shalt  }
0x81: {  	_ =	shalt  }
0x82: {  	_ =	shalt  }
0x83: {  	_ =	shalt  }
0x84: {  	_ =	shalt  }
0x85: {  	_ =	shalt  }
0x86: {  	_ =	shalt  }
0x87: {  	_ =	shalt  }
.Lfunc_end0:
.L_simem_size_0:
called_computation.3_lowered:
.L_overlay_start_0:
0x88: {  	s2 =	sld [smem:$0x3FD9]  }
0x89: {  	s3 =	sld [smem:$0x3FFE];
	_ =	sdelay $0x1  }
0x8a: {  	s1 =	srdreg.scid  }
0x8b: {  	s0 =	sand.u32 $0x1, s1  }
0x8c: {  	s16 =	sshll.u32 s0, $0xA;
	s2 =	sadd.s32 s3, s2  }
0x8d: {  	s2 =	sadd.s32 s2, s16  }
0x8e: {  	[smem:$0x3FB7] =	sst s2  }
0x8f: {  	_ = 	snop  }
0x90: {  	(tm) =	ssettm $0x1  }
0x91: {  	s17 =	sld [smem:$0x3FFB];
	_ =	sdelay $0x3  }
0x92: {  	_ =	strace s17  }
0x93: {  	s2 =	sld [smem:$0x3FFC];
	_ =	sdelay $0x3  }
0x94: {  	_ =	strace s2  }
0x95: {  	s2 =	sld [smem:$0x3FFD];
	_ =	sdelay $0x3  }
0x96: {  	_ =	strace s2  }
0x97: {  	_ =	strace $0x8FFFFFFF  }
0x98: {  	s18 =	sld [smem:$0x3FDB];
	_ =	sdelay $0x1  }
0x99: {  	s19 =	simm.s32 $_scs_section_size  }
0x9a: {  	s4 =	simm.s32 $_size__tile_overlayer_lowered;
	s5 =	simm.s32 $_tile_overlayer_lowered  }
0x9b: {  	s22 =	simm.s32 $0x1BFF;
	s21 =	sshll.u32 s5, $0x1;
	s2 =	sadd.s32 s19, s18  }
0x9c: {  	s6 =	simm.s32 $0x0;
	s20 =	sshll.u32 s4, $0x1;
	s4 =	sadd.s32 s21, s2  }
0x9d: {  	[timem:s6], [sflag:s22] =	dma.local [hbm:s4], s20  }
0x9e: {  	_ =	swait.ge [sflag:s22], s20  }
0x9f: {  	s3 =	ssub.s32 $0x0, s20;
	[sflag:s22] =	ssyncset.done $0x0  }
0xa0: {  	[sflag:s22] =	ssyncadd.s32 s3;
	_ =	sdelay $0x1  }
0xa1: {  	s23 =	simm.s32 $0x1B8B  }
0xa2: {  	_ =	swait.ge [sflag:s23], $0x1  }
0xa3: {  	[sflag:s23] =	ssyncset.done $0x0  }
0xa4: {  	s25 =	simm.s32 $0x1B8E;
	s24 =	sld [smem:$0x3FFE];
	[sflag:s23] =	ssyncadd.s32 $0xFFFFFFFF  }
0xa5: {  	s26 =	simm.s32 $execute0_lowered;
	[smem:$0x3FD2] =	sst s25  }
0xa6: {  	s4 =	sshll.u32 s26, $0x1;
	_ =	strace $0x8000004F;
	[dreg:$0x1] =	wrdreg $0xFFFFFFFF  }
0xa7: {  	s28 =	simm.s32 $_size_execute0_lowered;
	s2 =	sadd.s32 s2, s4;
	[dreg:$0x0] =	wrdreg $0x0  }
0xa8: {  	s4 =	sshll.u32 s28, $0x1;
	[dreg:$0x2] =	wrdreg s2  }
0xa9: {  	[dreg:$0x3] =	wrdreg s4  }
0xaa: {  	[dreg:$0x4] =	wrdreg $0xC0  }
0xab: {  	_ =	task [dreg:s6], $0x5FFFF  }
0xac: {  	[dreg:$0x1] =	wrdreg $0xFFFFFFFF  }
0xad: {  	[dreg:$0x0] =	wrdreg $0x60  }
0xae: {  	[dreg:$0x2] =	wrdreg s24  }
0xaf: {  	[dreg:$0x3] =	wrdreg $0x1A0800  }
0xb0: {  	[dreg:$0x4] =	wrdreg $0x9  }
0xb1: {  	_ =	task.clear_ibuf [dreg:s6], $0x5FFFF;
	_ =	strace $0x9000004F  }
0xb2: {  	s29 =	simm.s32 $0x9;
	_ =	strace $0x80000051  }
0xb3: {  	_ =	swait.ge [sflag:s29], $0x1  }
0xb4: {  	[sflag:s29] =	ssyncadd.s32 $0xFFFFFFFF  }
0xb5: {  	_ =	strace $0x90000051  }
0xb6: {  	_ =	sfence  }
0xb7: {  	s30 =	sld [smem:$0x0];
	_ =	sdelay $0x2  }
0xb8: {  	s31 =	sshll.u32 s1, $0xD;
	s1 =	sshrl.u32 s1, $0x2  }
0xb9: {  	s3 =	sand.u32 $0x4000, s31;
	s1 =	sadd.s32 s1, s30  }
0xba: {  	s0 =	sor.u32 s3, s0;
	s1 =	sshll.u32 s1, $0x11  }
0xbb: {  	s0 =	sor.u32 s1, s0  }
0xbc: {  	s0 =	sadd.s32 $0x8F2B, s0  }
0xbd: {  	[sflag:s0] =	ssyncadd.remote.s32 $0x1  }
0xbe: {  	_ =	sfence.sel $0xFFFF  }
0xbf: {  	[dreg:$0x0] =	wrdreg $0xFFFFFFFF;
	(pc) =	sbr.abs _section_cstart, $3  }
0xc0: {  	[dreg:$0x1] =	wrdreg $0xFFFFFFFF  }
0xc1: {  	_ =	task.clear_ibuf [dreg:s6], $0x2FFFF;
	_ =	strace $0x9FFFFFFF  }
0xc2: {  	(tm) =	ssettm $0x7FFFFFFF  }
0xc3: {  	_ =	shalt  }
tec
execute0_lowered:
.L_overlay_start_1:
0x0: {  	(tag) =	ssettag $0x1  }
0x1: {  	s0 =	srdreg.scid  }
0x2: {  	s4 =	sand.u32 $0x1, s0  }
0x3: {  	s6 =	smul.u32 $0x188000, s4  }
0x4: {  	s3 =	rddreg [dreg:$0x0];
	s8 =	smul.u32 $0x410, s4;
	s4 =	ssub.s32 $0x2, s4  }
0x5: {  	s1 =	rddreg [dreg:$0x1];
	s31 =	sshrl.u32 s4, $0x1  }
0x6: {  	s5 =	stileid.u32;
	s2 =	simm.s32 $0x0;
	s4 =	ssub.s32 s4, s31  }
0x7: {  	p1 =	por $0x0, $0x0;
	s0 =	rddreg [dreg:$0x2];
	s4 =	smax.u32 s4, $0x1  }
0x8: {  	s7 =	smul.u32 $0x18800, s5;
	[smem:$0x7FF] =	sst s2;
	s13 =	sadd.s32 $0xFFFFFFFF, s4  }
0x9: {  	s30 =	smul.u32 $0x310, s5;
	s9 =	sadd.s32 $0x68A00, s3;
	p2 =	sne.s32 s13, $0x0  }
.Ltmp0:
0xa: {  	p0 =	sne.s32 s5, $0x0;
	s6 =	sadd.s32 s7, s6;
	(pc) =	sbr.rel @!p2 .LBB2_3-.Ltmp0, $4  }
0xb: {  	s5 =	simm.s32 $0x1;
	_ =	strace $0x80000050;
	s6 =	sshrl.u32 s6, $0x3  }
0xc: {  	s10 =	sadd.s32 s30, s3;
	s6 =	sadd.s32 s6, s3;
	s3 =	sadd.s32 s8, s3  }
0xd: {  	s4 =	sshrl.u32 @!p0 s1, $0x3;
	s8 =	simm.s32 $0x18800;
	s7 =	sadd.s32 $0x6A00, s6  }
0xe: {  	s6 =	sadd.s32 $0x3800, s10;
	s3 =	sadd.s32 $0x69000, s3;
	s10 =	simm.s32 $0x1880  }
0xf: {  	s12 =	simm.s32 @!p0 $0x1C01;
	s11 =	simm.s32 @!p0 $0x1  }
0x10: {  	[spmem:s4], [sflag:s12] =	dma.local @!p0 [hbm:s9], $0x410  }
0x11: {  	_ =	swait.ge @!p0 [sflag:s11], $0x410  }
0x12: {  	[sflag:s11] =	ssyncset.done @!p0 $0x0  }
0x13: {  	[sflag:s11] =	ssyncadd.s32 @!p0 $0xFFFFFBF0  }
0x14: {  	[bflag:$0x0] =	sbarrier.arrive $0xFFFF  }
0x15: {  	[tilespmem:s2], [sflag:$0x1] =	stream.linear.gather [hbm4b:s7+s2], $0x18800, $0x38;
	[tilespmem:$0x1A288] =	vst v63  }
0x16: {  	_ =	swait.ge [sflag:s5], $0x18800  }
0x17: {  	[sflag:s5] =	ssyncset.done $0x0  }
0x18: {  	[sflag:s5] =	ssyncadd.s32 $0xFFFE7800  }
0x19: {  	[tilespmem:s8], [sflag:$0x1] =	stream.linear.gather [hbm4b:s6+s2], $0x1880, $0x38;
	[tilespmem:$0x1A288] =	vst v63  }
0x1a: {  	_ =	swait.ge [sflag:s5], $0x1880  }
0x1b: {  	[sflag:s5] =	ssyncset.done $0x0  }
0x1c: {  	[sflag:s5] =	ssyncadd.s32 $0xFFFFE780  }
0x1d: {  	[spmem:s1] =	stream.indirect.scatter.add.f32 [tilespmem:s2], [sflag:$0x1], $0x10, s8, s10, $0xb8;
	[tilespmem:$0x1A288] =	vst v63  }
0x1e: {  	s13 =	sadd.s32 $0xFFFFFFFF, s13;
	_ =	swait.ge [sflag:s5], $0x18800  }
0x1f: {  	p2 =	sne.s32 s13, $0x0;
	[sflag:s5] =	ssyncset.done $0x0  }
.Ltmp1:
0x20: {  	[sflag:s5] =	ssyncadd.s32 $0xFFFE7800;
	(pc) =	sbr.rel @!p2 .LBB2_3-.Ltmp1, $4  }
0x21: {  	[bflag:$0x0] =	sbarrier.arrive $0xFFFF  }
0x22: {  	[hbm:s3], [sflag:s12] =	dma.local @!p0 [spmem:s4], $0x410  }
0x23: {  	_ =	swait.ge @!p0 [sflag:s11], $0x410  }
0x24: {  	p1 =	por $0x1, $0x1;
	[sflag:s11] =	ssyncset.done @!p0 $0x0  }
.LBB2_2:
0x25: {  	[sflag:s11] =	ssyncadd.s32 @!p0 $0xFFFFFBF0  }
0x26: {  	[spmem:s4], [sflag:s12] =	dma.local @!p0 [hbm:s9], $0x410  }
0x27: {  	s13 =	sadd.s32 $0xFFFFFFFF, s13;
	_ =	swait.ge @!p0 [sflag:s11], $0x410  }
0x28: {  	p2 =	sne.s32 s13, $0x0;
	[sflag:s11] =	ssyncset.done @!p0 $0x0  }
0x29: {  	[sflag:s11] =	ssyncadd.s32 @!p0 $0xFFFFFBF0  }
0x2a: {  	[bflag:$0x0] =	sbarrier.arrive $0xFFFF  }
0x2b: {  	[tilespmem:s2], [sflag:$0x1] =	stream.linear.gather [hbm4b:s7+s2], $0x18800, $0x38;
	[tilespmem:$0x1A288] =	vst v63  }
0x2c: {  	_ =	swait.ge [sflag:s5], $0x18800  }
0x2d: {  	[sflag:s5] =	ssyncset.done $0x0  }
0x2e: {  	[sflag:s5] =	ssyncadd.s32 $0xFFFE7800  }
0x2f: {  	[tilespmem:s8], [sflag:$0x1] =	stream.linear.gather [hbm4b:s6+s2], $0x1880, $0x38;
	[tilespmem:$0x1A288] =	vst v63  }
0x30: {  	_ =	swait.ge [sflag:s5], $0x1880  }
0x31: {  	[sflag:s5] =	ssyncset.done $0x0  }
0x32: {  	[sflag:s5] =	ssyncadd.s32 $0xFFFFE780  }
0x33: {  	[spmem:s1] =	stream.indirect.scatter.add.f32 [tilespmem:s2], [sflag:$0x1], $0x10, s8, s10, $0xb8;
	[tilespmem:$0x1A288] =	vst v63  }
0x34: {  	_ =	swait.ge [sflag:s5], $0x18800  }
0x35: {  	[sflag:s5] =	ssyncset.done $0x0  }
.Ltmp2:
0x36: {  	[sflag:s5] =	ssyncadd.s32 $0xFFFE7800;
	(pc) =	sbr.rel @p2 .LBB2_2-.Ltmp2, $4  }
0x37: {  	[bflag:$0x0] =	sbarrier.arrive $0xFFFF  }
0x38: {  	[hbm:s3], [sflag:s12] =	dma.local @!p0 [spmem:s4], $0x410  }
0x39: {  	_ =	swait.ge @!p0 [sflag:s11], $0x410  }
0x3a: {  	[sflag:s11] =	ssyncset.done @!p0 $0x0  }
.LBB2_3:
0x3b: {  	p1 =	por p0, !p1  }
0x3c: {  	s12 =	simm.s32 @!p0 $0x1C01;
	s13 =	simm.s32 @!p0 $0x1;
	[sflag:s11] =	ssyncadd.s32 @!p1 $0xFFFFFBF0  }
0x3d: {  	[spmem:s4], [sflag:s12] =	dma.local @!p0 [hbm:s9], $0x410  }
0x3e: {  	_ =	swait.ge @!p0 [sflag:s13], $0x410  }
0x3f: {  	[sflag:s13] =	ssyncset.done @!p0 $0x0  }
0x40: {  	[sflag:s13] =	ssyncadd.s32 @!p0 $0xFFFFFBF0  }
0x41: {  	[bflag:$0x0] =	sbarrier.arrive $0xFFFF  }
0x42: {  	[tilespmem:s2], [sflag:$0x1] =	stream.linear.gather [hbm4b:s7+s2], $0x18800, $0x38;
	[tilespmem:$0x1A288] =	vst v63  }
0x43: {  	_ =	swait.ge [sflag:s5], $0x18800  }
0x44: {  	[sflag:s5] =	ssyncset.done $0x0  }
0x45: {  	[sflag:s5] =	ssyncadd.s32 $0xFFFE7800  }
0x46: {  	[tilespmem:s8], [sflag:$0x1] =	stream.linear.gather [hbm4b:s6+s2], $0x1880, $0x38;
	[tilespmem:$0x1A288] =	vst v63  }
0x47: {  	_ =	swait.ge [sflag:s5], $0x1880  }
0x48: {  	[sflag:s5] =	ssyncset.done $0x0  }
0x49: {  	[sflag:s5] =	ssyncadd.s32 $0xFFFFE780  }
0x4a: {  	[spmem:s1] =	stream.indirect.scatter.add.f32 [tilespmem:s2], [sflag:$0x1], $0x10, s8, s10, $0xb8;
	[tilespmem:$0x1A288] =	vst v63  }
0x4b: {  	_ =	swait.ge [sflag:s5], $0x18800  }
0x4c: {  	[sflag:s5] =	ssyncset.done $0x0  }
0x4d: {  	[sflag:s5] =	ssyncadd.s32 $0xFFFE7800  }
0x4e: {  	[bflag:$0x0] =	sbarrier.arrive $0xFFFF  }
0x4f: {  	[hbm:s3], [sflag:s12] =	dma.local @!p0 [spmem:s4], $0x410  }
0x50: {  	_ =	swait.ge @!p0 [sflag:s13], $0x410  }
0x51: {  	[sflag:s13] =	ssyncset.done @!p0 $0x0  }
0x52: {  	[sflag:s13] =	ssyncadd.s32 @!p0 $0xFFFFFBF0  }
0x53: {  	_ =	sfence.sel $0x180000  }
0x54: {  	[bflag:$0x0] =	sbarrier.arrive $0xFFFF  }
0x55: {  	_ =	strace $0x90000050  }
0x56: {  	s0 =	sadd.s32 @!p0 $0x100000, s0;
	[bflag:$0x2] =	sbarrier.arrive $0xFFFF  }
0x57: {  	[sflag:s0] =	ssyncadd.tile.s32 @!p0 $0x1;
	_ =	shalt  }
.Lfunc_end2:
_tile_overlayer_lowered:
.L_overlay_start_2:
0x58: {  	(tag) =	ssettag $0x2  }
0x59: {  	s0 =	rddreg [dreg:$0x0];
	s2 =	stileid.u32  }
0x5a: {  	s1 =	rddreg [dreg:$0x1];
	p0 =	sne.s32 s2, $0x0  }
0x5b: {  	s3 =	rddreg [dreg:$0x2];
	[bflag:$0x3] =	sbarrier.arrive $0xFFFF;
	s2 =	simm.s32 @!p0 $0x1C01  }
0x5c: {  	[timem:s3], [sflag:s2] =	dma.local @!p0 [hbm:s0], s1  }
0x5d: {  	s0 =	simm.s32 @!p0 $0x1  }
0x5e: {  	_ =	swait.ge @!p0 [sflag:s0], s1  }
0x5f: {  	s1 =	ssub.s32 @!p0 $0x0, s1;
	[sflag:s0] =	ssyncset.done @!p0 $0x0  }
0x60: {  	[sflag:s0] =	ssyncadd.s32 @!p0 s1  }
0x61: {  	[bflag:$0x3] =	sbarrier.arrive $0xFFFF  }
0x62: {  	_ =	shalt  }

</sc_bundles>
